<compile_context>
chip_gen: v7x
topology: tpu7x:2x2x1
jax: 0.10.2.dev20260603
libtpu: 0.0.44.dev20260713+nightly
codegen_flags: <defaults>
</compile_context>

<pallas_src>
import functools

import jax
import jax.numpy as jnp
import numpy as np
from jax import lax
from jax.experimental import pallas as pl
from jax.experimental.pallas import tpu as pltpu
from jax.experimental.pallas import tpu_sc as plsc

L_LVL, B, C, H, W = 4, 16, 2, 256, 256
K = 128
HW = H * W
LANES = 16
HALF = K // 2
NCHUNK = HALF // LANES
NROW = L_LVL * C
NS = 16
GAMMAS = [float(0.8 ** (L_LVL - 1 - i)) for i in range(L_LVL)]

_mesh = plsc.VectorSubcoreMesh(core_axis_name="c", subcore_axis_name="s")


@functools.partial(
    pl.kernel,
    out_type=jax.ShapeDtypeStruct((2, NS, LANES), jnp.float32),
    mesh=_mesh,
    compiler_params=pltpu.CompilerParams(needs_layout_passes=False),
    scratch_types=[
        pltpu.VMEM((K,), jnp.int32),
        pltpu.VMEM((K,), jnp.int32),
        pltpu.VMEM((HALF,), jnp.int32),
        pltpu.VMEM((HALF,), jnp.int32),
        pltpu.VMEM((HW,), jnp.int32),
        pltpu.VMEM((NROW * HALF // 128, 128), jnp.int32),
        pltpu.VMEM((NROW * HALF // 128, 128), jnp.float32),
        pltpu.VMEM((LANES,), jnp.float32),
        pltpu.SemaphoreType.DMA,
    ],
)
def _loss_sc(pk_h, pred_h, out_h,
             pk_v, pos_v, mpk_v, mpos_v,
             table, idx_v, vals_v, part_v, sem):
    c = lax.axis_index("c")
    s = lax.axis_index("s")
    b = s
    base_k = c * HALF

    pltpu.sync_copy(pk_h.at[b], pk_v)
    pltpu.sync_copy(pk_h.at[b, pl.ds(base_k, HALF)], mpk_v)

    for j in range(K // LANES):
        sl = pl.ds(j * LANES, LANES)
        pk = pk_v[sl]
        pos_v[sl] = ((pk >> 8) & 0xFF) * W + (pk & 0xFF)
    for j in range(NCHUNK):
        sl = pl.ds(j * LANES, LANES)
        pk = mpk_v[sl]
        mpos_v[sl] = ((pk >> 8) & 0xFF) * W + (pk & 0xFF)

    lane = lax.iota(jnp.int32, LANES)
    for j in range(K // LANES):
        sl = pl.ds(j * LANES, LANES)
        plsc.store_scatter(table, [pos_v[sl]], j * LANES + lane)

    for j in range(NCHUNK):
        sl = pl.ds(j * LANES, LANES)
        p = mpos_v[sl]
        tp = (((p >> 11) << 11) | (((p >> 7) & 1) << 10)
              | (((p >> 8) & 7) << 7) | (p & 127))
        for i in range(L_LVL):
            for cc in range(C):
                r = i * C + cc
                off = (i * B * C + cc) * HW + b * (C * HW)
                e0 = r * HALF + j * LANES
                idx_v[e0 >> 7, pl.ds(e0 & 127, LANES)] = tp + off

    copies = [pltpu.async_copy(pred_h.at[idx_v.at[r]], vals_v.at[r], sem)
              for r in range(NROW * HALF // 128)]
    for cp in copies:
        cp.wait()

    acc = jnp.zeros((LANES,), jnp.float32)
    cnt_acc = jnp.zeros((LANES,), jnp.float32)
    for j in range(NCHUNK):
        sl = pl.ds(j * LANES, LANES)
        p = mpos_v[sl]
        winner = plsc.load_gather(table, [p]) == (base_k + j * LANES + lane)
        pk = mpk_v[sl]
        x0c = pk & 0xFF
        y0c = (pk >> 8) & 0xFF
        x1c = (pk >> 16) & 0xFF
        y1c = (pk >> 24) & 0xFF
        nz = (x1c != x0c) | (y1c != y0c)
        w = jnp.where(winner & nz, 1.0, 0.0).astype(jnp.float32)
        cnt_acc = cnt_acc + w
        dxf = (x1c - x0c).astype(jnp.float32)
        dyf = (y1c - y0c).astype(jnp.float32)
        for i in range(L_LVL):
            e0 = (2 * i) * HALF + j * LANES
            e1 = (2 * i + 1) * HALF + j * LANES
            d0 = vals_v[e0 >> 7, pl.ds(e0 & 127, LANES)] - dxf
            d1 = vals_v[e1 >> 7, pl.ds(e1 & 127, LANES)] - dyf
            acc = acc + (np.float32(GAMMAS[i]) * w) * (d0 * d0 + d1 * d1)

    ws = jnp.sum(acc)
    cnt = jnp.sum(cnt_acc)
    part_v[...] = jnp.where(lane == 0, ws, jnp.where(lane == 1, cnt, 0.0))
    pltpu.sync_copy(part_v, out_h.at[c, s])


def kernel(pred_flows, kps):
    packed = (kps[:, 0, :, 0]
              | (kps[:, 0, :, 1] << 8)
              | (kps[:, 1, :, 0] << 16)
              | (kps[:, 1, :, 1] << 24))
    pred_flat = (pred_flows
                 .reshape(L_LVL, B, C, H // 8, 8, W // 128, 128)
                 .transpose(0, 1, 2, 3, 5, 4, 6)
                 .reshape(-1))
    parts = _loss_sc(packed, pred_flat)
    tot = jnp.sum(parts, axis=(0, 1))
    return tot[0] / (2.0 * tot[1])

# --- scband reference (transcript-rebuilt; emitter-appended) ---
"""Pipeline reference for scband-keypoint-flow-loss-28767690949028 (READ-ONLY COPY).

The authoritative reference and input builder live on the scoring server;
editing this copy changes nothing except your own understanding.
"""

import jax, jax.numpy as jnp
import numpy as np

L, B, C, H, W = 4, 16, 2, 256, 256
K = 128


def setup_inputs(seed: int = 0) -> dict:
    key = jax.random.key(seed)
    k1, k2 = jax.random.split(key)
    pred_flows = jax.random.normal(k1, (L, B, C, H, W), dtype=jnp.float32)
    kps = jax.random.randint(k2, (B, 2, K, 2), 0, 256, dtype=jnp.int32)
    return {"pred_flows": pred_flows, "kps": kps}


def _build_gt_flow(kps):
    kps0 = kps[:, 0]  # [B, K, 2]
    kps1 = kps[:, 1]  # [B, K, 2]
    x0 = kps0[..., 0]
    y0 = kps0[..., 1]
    x1 = kps1[..., 0]
    y1 = kps1[..., 1]
    b = jnp.broadcast_to(jnp.arange(B, dtype=jnp.int32)[:, None], (B, K))
    gt = jnp.zeros((B, C, H, W), dtype=jnp.float32)
    # scatter-overwrite: gt_flow[i, 0, y0, x0] = x1 - x0 ; gt_flow[i, 1, y0, x0] = y1 - y0
    gt = gt.at[b, 0, y0, x0].set((x1 - x0).astype(jnp.float32))
    gt = gt.at[b, 1, y0, x0].set((y1 - y0).astype(jnp.float32))
    return gt


def reference(pred_flows, kps):
    loss_weight = 1.0
    gamma = 0.8
    gt_flow = _build_gt_flow(kps)
    gt_mask = jnp.linalg.norm(gt_flow, axis=1) > 0  # [B, H, W]
    max_pos = gt_mask.shape[0] * gt_mask.shape[1] * gt_mask.shape[2]
    count = jnp.sum(gt_mask)
    bb, yy, xx = jnp.nonzero(gt_mask, size=max_pos, fill_value=0)
    valid = (jnp.arange(max_pos) < count).astype(jnp.float32)  # [max_pos]
    pos_gt = gt_flow[bb, :, yy, xx]  # [max_pos, 2]
    denom = count.astype(jnp.float32) * pos_gt.shape[1]
    loss = jnp.float32(0.0)
    n_levels = pred_flows.shape[0]
    for i in range(n_levels):
        pos_pred = pred_flows[i][bb, :, yy, xx]  # [max_pos, 2]
        mse = jnp.sum(valid[:, None] * (pos_pred - pos_gt) ** 2) / denom
        loss = loss + mse * (gamma ** (n_levels - i - 1))
    loss = jnp.mean(loss)
    return loss * loss_weight

if __name__ == "__main__":
    import jax
    _d = setup_inputs()
    print(jax.jit(kernel)(*tuple(_d.values())))

</pallas_src>

<mosaic_0001>
#map = affine_map<(d0, d1) -> (0, 0)>
#map1 = affine_map<(d0, d1) -> (0)>
#map2 = affine_map<(d0, d1) -> (0, 0, 0)>
module attributes {stable_mosaic.version = 14 : i64} {
  func.func @_loss_sc(%arg0: i32, %arg1: i32, %arg2: memref<16x128xi32, #tpu.memory_space<hbm>>, %arg3: memref<8388608xf32, #tpu.memory_space<hbm>>, %arg4: memref<2x16x16xf32, #tpu.memory_space<hbm>>, %arg5: memref<128xi32, #tpu.memory_space<vmem>>, %arg6: memref<128xi32, #tpu.memory_space<vmem>>, %arg7: memref<64xi32, #tpu.memory_space<vmem>>, %arg8: memref<64xi32, #tpu.memory_space<vmem>>, %arg9: memref<65536xi32, #tpu.memory_space<vmem>>, %arg10: memref<4x128xi32, #tpu.memory_space<vmem>>, %arg11: memref<4x128xf32, #tpu.memory_space<vmem>>, %arg12: memref<16xf32, #tpu.memory_space<vmem>>, %arg13: memref<!tpu.dma_semaphore, #tpu.memory_space<semaphore_mem>>) attributes {dimension_semantics = [#tpu.dimension_semantics<core_parallel>, #tpu.dimension_semantics<subcore_parallel>], iteration_bounds = array<i64: 2, 16>, scalar_prefetch = 0 : i64, scratch_operands = 9 : i64, tpu.core_type = #tpu.core_type<sc_vector_subcore>, window_params = [{transform_indices = #map}, {transform_indices = #map1}, {transform_indices = #map2}]} {
    %mul3A = arith.constant 64 : i32
    %mul3A_0 = arith.muli %arg0, %mul3A : i32
    "tpu.region"() ({
      %run_scoped3A = tpu.sem_alloc : memref<!tpu.dma_semaphore, #tpu.memory_space<semaphore_mem>>
      %dma_start3A_1249 = arith.constant 0 : i32
      %dma_start3A_1250 = tpu.memref_slice %arg2[%arg1, %dma_start3A_1249] : memref<16x128xi32, #tpu.memory_space<hbm>> -> memref<1x128xi32, #tpu.memory_space<hbm>>
      %dma_start3A_1251 = tpu.memref_squeeze %dma_start3A_1250 : memref<1x128xi32, #tpu.memory_space<hbm>> -> memref<128xi32, #tpu.memory_space<hbm>>
      %dma_start3A_1252 = arith.constant 0 : i32
      %dma_start3A_1253 = tpu.memref_slice %arg2[%arg1, %dma_start3A_1252] : memref<16x128xi32, #tpu.memory_space<hbm>> -> memref<1x128xi32, #tpu.memory_space<hbm>>
      %dma_start3A_1254 = tpu.memref_squeeze %dma_start3A_1253 : memref<1x128xi32, #tpu.memory_space<hbm>> -> memref<128xi32, #tpu.memory_space<hbm>>
      tpu.enqueue_dma source(%dma_start3A_1254 : memref<128xi32, #tpu.memory_space<hbm>>) target(%arg5 : memref<128xi32, #tpu.memory_space<vmem>>) target_semaphore(%run_scoped3A : memref<!tpu.dma_semaphore, #tpu.memory_space<semaphore_mem>>)
      %dma_wait3A_1255 = arith.constant 0 : i32
      %dma_wait3A_1256 = tpu.memref_slice %arg2[%arg1, %dma_wait3A_1255] : memref<16x128xi32, #tpu.memory_space<hbm>> -> memref<1x128xi32, #tpu.memory_space<hbm>>
      %dma_wait3A_1257 = tpu.memref_squeeze %dma_wait3A_1256 : memref<1x128xi32, #tpu.memory_space<hbm>> -> memref<128xi32, #tpu.memory_space<hbm>>
      %dma_wait3A_1258 = arith.constant 0 : i32
      %dma_wait3A_1259 = tpu.memref_slice %arg2[%arg1, %dma_wait3A_1258] : memref<16x128xi32, #tpu.memory_space<hbm>> -> memref<1x128xi32, #tpu.memory_space<hbm>>
      %dma_wait3A_1260 = tpu.memref_squeeze %dma_wait3A_1259 : memref<1x128xi32, #tpu.memory_space<hbm>> -> memref<128xi32, #tpu.memory_space<hbm>>
      tpu.wait_dma2 semaphore(%run_scoped3A : memref<!tpu.dma_semaphore, #tpu.memory_space<semaphore_mem>>) src(%dma_wait3A_1260 : memref<128xi32, #tpu.memory_space<hbm>>) dst(%arg5 : memref<128xi32, #tpu.memory_space<vmem>>)
      tpu.yield
    }) : () -> ()
    "tpu.region"() ({
      %run_scoped3A = tpu.sem_alloc : memref<!tpu.dma_semaphore, #tpu.memory_space<semaphore_mem>>
      %dma_start3A_1249 = tpu.memref_slice %arg2[%arg1, %mul3A_0] : memref<16x128xi32, #tpu.memory_space<hbm>> -> memref<1x64xi32, #tpu.memory_space<hbm>>
      %dma_start3A_1250 = tpu.memref_squeeze %dma_start3A_1249 : memref<1x64xi32, #tpu.memory_space<hbm>> -> memref<64xi32, #tpu.memory_space<hbm>>
      %dma_start3A_1251 = tpu.memref_slice %arg2[%arg1, %mul3A_0] : memref<16x128xi32, #tpu.memory_space<hbm>> -> memref<1x64xi32, #tpu.memory_space<hbm>>
      %dma_start3A_1252 = tpu.memref_squeeze %dma_start3A_1251 : memref<1x64xi32, #tpu.memory_space<hbm>> -> memref<64xi32, #tpu.memory_space<hbm>>
      tpu.enqueue_dma source(%dma_start3A_1252 : memref<64xi32, #tpu.memory_space<hbm>>) target(%arg7 : memref<64xi32, #tpu.memory_space<vmem>>) target_semaphore(%run_scoped3A : memref<!tpu.dma_semaphore, #tpu.memory_space<semaphore_mem>>)
      %dma_wait3A_1253 = tpu.memref_slice %arg2[%arg1, %mul3A_0] : memref<16x128xi32, #tpu.memory_space<hbm>> -> memref<1x64xi32, #tpu.memory_space<hbm>>
      %dma_wait3A_1254 = tpu.memref_squeeze %dma_wait3A_1253 : memref<1x64xi32, #tpu.memory_space<hbm>> -> memref<64xi32, #tpu.memory_space<hbm>>
      %dma_wait3A_1255 = tpu.memref_slice %arg2[%arg1, %mul3A_0] : memref<16x128xi32, #tpu.memory_space<hbm>> -> memref<1x64xi32, #tpu.memory_space<hbm>>
      %dma_wait3A_1256 = tpu.memref_squeeze %dma_wait3A_1255 : memref<1x64xi32, #tpu.memory_space<hbm>> -> memref<64xi32, #tpu.memory_space<hbm>>
      tpu.wait_dma2 semaphore(%run_scoped3A : memref<!tpu.dma_semaphore, #tpu.memory_space<semaphore_mem>>) src(%dma_wait3A_1256 : memref<64xi32, #tpu.memory_space<hbm>>) dst(%arg7 : memref<64xi32, #tpu.memory_space<vmem>>)
      tpu.yield
    }) : () -> ()
    %get3A = arith.constant 0 : index
    %get3A_1 = tpu.vector_load %arg5[%get3A] {strides = array<i32>} : memref<128xi32, #tpu.memory_space<vmem>>, vector<16xi32>,
    %shift_right_arithmetic3A = arith.constant 8 : i32
    %shift_right_arithmetic3A_2 = vector.broadcast %shift_right_arithmetic3A : i32 to vector<16xi32>
    %shift_right_arithmetic3A_3 = arith.shrsi %get3A_1, %shift_right_arithmetic3A_2 : vector<16xi32>
    %and3A = arith.constant 255 : i32
    %and3A_4 = vector.broadcast %and3A : i32 to vector<16xi32>
    %and3A_5 = arith.andi %shift_right_arithmetic3A_3, %and3A_4 : vector<16xi32>
    %mul3A_6 = arith.constant 256 : i32
    %mul3A_7 = vector.broadcast %mul3A_6 : i32 to vector<16xi32>
    %mul3A_8 = arith.muli %and3A_5, %mul3A_7 : vector<16xi32>
    %and3A_9 = arith.constant 255 : i32
    %and3A_10 = vector.broadcast %and3A_9 : i32 to vector<16xi32>
    %and3A_11 = arith.andi %get3A_1, %and3A_10 : vector<16xi32>
    %add3A = arith.addi %mul3A_8, %and3A_11 : vector<16xi32>
    %swap3A = arith.constant 0 : index
    %swap3A_12 = tpu.vector_load %arg6[%swap3A] {strides = array<i32>} : memref<128xi32, #tpu.memory_space<vmem>>, vector<16xi32>,
    tpu.vector_store %arg6[%swap3A], %add3A {strides = array<i32>} : memref<128xi32, #tpu.memory_space<vmem>>, vector<16xi32>,
    %get3A_13 = arith.constant 16 : index
    %get3A_14 = tpu.vector_load %arg5[%get3A_13] {strides = array<i32>} : memref<128xi32, #tpu.memory_space<vmem>>, vector<16xi32>,
    %shift_right_arithmetic3A_15 = arith.constant 8 : i32
    %shift_right_arithmetic3A_16 = vector.broadcast %shift_right_arithmetic3A_15 : i32 to vector<16xi32>
    %shift_right_arithmetic3A_17 = arith.shrsi %get3A_14, %shift_right_arithmetic3A_16 : vector<16xi32>
    %and3A_18 = arith.constant 255 : i32
    %and3A_19 = vector.broadcast %and3A_18 : i32 to vector<16xi32>
    %and3A_20 = arith.andi %shift_right_arithmetic3A_17, %and3A_19 : vector<16xi32>
    %mul3A_21 = arith.constant 256 : i32
    %mul3A_22 = vector.broadcast %mul3A_21 : i32 to vector<16xi32>
    %mul3A_23 = arith.muli %and3A_20, %mul3A_22 : vector<16xi32>
    %and3A_24 = arith.constant 255 : i32
    %and3A_25 = vector.broadcast %and3A_24 : i32 to vector<16xi32>
    %and3A_26 = arith.andi %get3A_14, %and3A_25 : vector<16xi32>
    %add3A_27 = arith.addi %mul3A_23, %and3A_26 : vector<16xi32>
    %swap3A_28 = arith.constant 16 : index
    %swap3A_29 = tpu.vector_load %arg6[%swap3A_28] {strides = array<i32>} : memref<128xi32, #tpu.memory_space<vmem>>, vector<16xi32>,
    tpu.vector_store %arg6[%swap3A_28], %add3A_27 {strides = array<i32>} : memref<128xi32, #tpu.memory_space<vmem>>, vector<16xi32>,
    %get3A_30 = arith.constant 32 : index
    %get3A_31 = tpu.vector_load %arg5[%get3A_30] {strides = array<i32>} : memref<128xi32, #tpu.memory_space<vmem>>, vector<16xi32>,
    %shift_right_arithmetic3A_32 = arith.constant 8 : i32
    %shift_right_arithmetic3A_33 = vector.broadcast %shift_right_arithmetic3A_32 : i32 to vector<16xi32>
    %shift_right_arithmetic3A_34 = arith.shrsi %get3A_31, %shift_right_arithmetic3A_33 : vector<16xi32>
    %and3A_35 = arith.constant 255 : i32
    %and3A_36 = vector.broadcast %and3A_35 : i32 to vector<16xi32>
    %and3A_37 = arith.andi %shift_right_arithmetic3A_34, %and3A_36 : vector<16xi32>
    %mul3A_38 = arith.constant 256 : i32
    %mul3A_39 = vector.broadcast %mul3A_38 : i32 to vector<16xi32>
    %mul3A_40 = arith.muli %and3A_37, %mul3A_39 : vector<16xi32>
    %and3A_41 = arith.constant 255 : i32
    %and3A_42 = vector.broadcast %and3A_41 : i32 to vector<16xi32>
    %and3A_43 = arith.andi %get3A_31, %and3A_42 : vector<16xi32>
    %add3A_44 = arith.addi %mul3A_40, %and3A_43 : vector<16xi32>
    %swap3A_45 = arith.constant 32 : index
    %swap3A_46 = tpu.vector_load %arg6[%swap3A_45] {strides = array<i32>} : memref<128xi32, #tpu.memory_space<vmem>>, vector<16xi32>,
    tpu.vector_store %arg6[%swap3A_45], %add3A_44 {strides = array<i32>} : memref<128xi32, #tpu.memory_space<vmem>>, vector<16xi32>,
    %get3A_47 = arith.constant 48 : index
    %get3A_48 = tpu.vector_load %arg5[%get3A_47] {strides = array<i32>} : memref<128xi32, #tpu.memory_space<vmem>>, vector<16xi32>,
    %shift_right_arithmetic3A_49 = arith.constant 8 : i32
    %shift_right_arithmetic3A_50 = vector.broadcast %shift_right_arithmetic3A_49 : i32 to vector<16xi32>
    %shift_right_arithmetic3A_51 = arith.shrsi %get3A_48, %shift_right_arithmetic3A_50 : vector<16xi32>
    %and3A_52 = arith.constant 255 : i32
    %and3A_53 = vector.broadcast %and3A_52 : i32 to vector<16xi32>
    %and3A_54 = arith.andi %shift_right_arithmetic3A_51, %and3A_53 : vector<16xi32>
    %mul3A_55 = arith.constant 256 : i32
    %mul3A_56 = vector.broadcast %mul3A_55 : i32 to vector<16xi32>
    %mul3A_57 = arith.muli %and3A_54, %mul3A_56 : vector<16xi32>
    %and3A_58 = arith.constant 255 : i32
    %and3A_59 = vector.broadcast %and3A_58 : i32 to vector<16xi32>
    %and3A_60 = arith.andi %get3A_48, %and3A_59 : vector<16xi32>
    %add3A_61 = arith.addi %mul3A_57, %and3A_60 : vector<16xi32>
    %swap3A_62 = arith.constant 48 : index
    %swap3A_63 = tpu.vector_load %arg6[%swap3A_62] {strides = array<i32>} : memref<128xi32, #tpu.memory_space<vmem>>, vector<16xi32>,
    tpu.vector_store %arg6[%swap3A_62], %add3A_61 {strides = array<i32>} : memref<128xi32, #tpu.memory_space<vmem>>, vector<16xi32>,
    %get3A_64 = arith.constant 64 : index
    %get3A_65 = tpu.vector_load %arg5[%get3A_64] {strides = array<i32>} : memref<128xi32, #tpu.memory_space<vmem>>, vector<16xi32>,
    %shift_right_arithmetic3A_66 = arith.constant 8 : i32
    %shift_right_arithmetic3A_67 = vector.broadcast %shift_right_arithmetic3A_66 : i32 to vector<16xi32>
    %shift_right_arithmetic3A_68 = arith.shrsi %get3A_65, %shift_right_arithmetic3A_67 : vector<16xi32>
    %and3A_69 = arith.constant 255 : i32
    %and3A_70 = vector.broadcast %and3A_69 : i32 to vector<16xi32>
    %and3A_71 = arith.andi %shift_right_arithmetic3A_68, %and3A_70 : vector<16xi32>
    %mul3A_72 = arith.constant 256 : i32
    %mul3A_73 = vector.broadcast %mul3A_72 : i32 to vector<16xi32>
    %mul3A_74 = arith.muli %and3A_71, %mul3A_73 : vector<16xi32>
    %and3A_75 = arith.constant 255 : i32
    %and3A_76 = vector.broadcast %and3A_75 : i32 to vector<16xi32>
    %and3A_77 = arith.andi %get3A_65, %and3A_76 : vector<16xi32>
    %add3A_78 = arith.addi %mul3A_74, %and3A_77 : vector<16xi32>
    %swap3A_79 = arith.constant 64 : index
    %swap3A_80 = tpu.vector_load %arg6[%swap3A_79] {strides = array<i32>} : memref<128xi32, #tpu.memory_space<vmem>>, vector<16xi32>,
    tpu.vector_store %arg6[%swap3A_79], %add3A_78 {strides = array<i32>} : memref<128xi32, #tpu.memory_space<vmem>>, vector<16xi32>,
    %get3A_81 = arith.constant 80 : index
    %get3A_82 = tpu.vector_load %arg5[%get3A_81] {strides = array<i32>} : memref<128xi32, #tpu.memory_space<vmem>>, vector<16xi32>,
    %shift_right_arithmetic3A_83 = arith.constant 8 : i32
    %shift_right_arithmetic3A_84 = vector.broadcast %shift_right_arithmetic3A_83 : i32 to vector<16xi32>
    %shift_right_arithmetic3A_85 = arith.shrsi %get3A_82, %shift_right_arithmetic3A_84 : vector<16xi32>
    %and3A_86 = arith.constant 255 : i32
    %and3A_87 = vector.broadcast %and3A_86 : i32 to vector<16xi32>
    %and3A_88 = arith.andi %shift_right_arithmetic3A_85, %and3A_87 : vector<16xi32>
    %mul3A_89 = arith.constant 256 : i32
    %mul3A_90 = vector.broadcast %mul3A_89 : i32 to vector<16xi32>
    %mul3A_91 = arith.muli %and3A_88, %mul3A_90 : vector<16xi32>
    %and3A_92 = arith.constant 255 : i32
    %and3A_93 = vector.broadcast %and3A_92 : i32 to vector<16xi32>
    %and3A_94 = arith.andi %get3A_82, %and3A_93 : vector<16xi32>
    %add3A_95 = arith.addi %mul3A_91, %and3A_94 : vector<16xi32>
    %swap3A_96 = arith.constant 80 : index
    %swap3A_97 = tpu.vector_load %arg6[%swap3A_96] {strides = array<i32>} : memref<128xi32, #tpu.memory_space<vmem>>, vector<16xi32>,
    tpu.vector_store %arg6[%swap3A_96], %add3A_95 {strides = array<i32>} : memref<128xi32, #tpu.memory_space<vmem>>, vector<16xi32>,
    %get3A_98 = arith.constant 96 : index
    %get3A_99 = tpu.vector_load %arg5[%get3A_98] {strides = array<i32>} : memref<128xi32, #tpu.memory_space<vmem>>, vector<16xi32>,
    %shift_right_arithmetic3A_100 = arith.constant 8 : i32
    %shift_right_arithmetic3A_101 = vector.broadcast %shift_right_arithmetic3A_100 : i32 to vector<16xi32>
    %shift_right_arithmetic3A_102 = arith.shrsi %get3A_99, %shift_right_arithmetic3A_101 : vector<16xi32>
    %and3A_103 = arith.constant 255 : i32
    %and3A_104 = vector.broadcast %and3A_103 : i32 to vector<16xi32>
    %and3A_105 = arith.andi %shift_right_arithmetic3A_102, %and3A_104 : vector<16xi32>
    %mul3A_106 = arith.constant 256 : i32
    %mul3A_107 = vector.broadcast %mul3A_106 : i32 to vector<16xi32>
    %mul3A_108 = arith.muli %and3A_105, %mul3A_107 : vector<16xi32>
    %and3A_109 = arith.constant 255 : i32
    %and3A_110 = vector.broadcast %and3A_109 : i32 to vector<16xi32>
    %and3A_111 = arith.andi %get3A_99, %and3A_110 : vector<16xi32>
    %add3A_112 = arith.addi %mul3A_108, %and3A_111 : vector<16xi32>
    %swap3A_113 = arith.constant 96 : index
    %swap3A_114 = tpu.vector_load %arg6[%swap3A_113] {strides = array<i32>} : memref<128xi32, #tpu.memory_space<vmem>>, vector<16xi32>,
    tpu.vector_store %arg6[%swap3A_113], %add3A_112 {strides = array<i32>} : memref<128xi32, #tpu.memory_space<vmem>>, vector<16xi32>,
    %get3A_115 = arith.constant 112 : index
    %get3A_116 = tpu.vector_load %arg5[%get3A_115] {strides = array<i32>} : memref<128xi32, #tpu.memory_space<vmem>>, vector<16xi32>,
    %shift_right_arithmetic3A_117 = arith.constant 8 : i32
    %shift_right_arithmetic3A_118 = vector.broadcast %shift_right_arithmetic3A_117 : i32 to vector<16xi32>
    %shift_right_arithmetic3A_119 = arith.shrsi %get3A_116, %shift_right_arithmetic3A_118 : vector<16xi32>
    %and3A_120 = arith.constant 255 : i32
    %and3A_121 = vector.broadcast %and3A_120 : i32 to vector<16xi32>
    %and3A_122 = arith.andi %shift_right_arithmetic3A_119, %and3A_121 : vector<16xi32>
    %mul3A_123 = arith.constant 256 : i32
    %mul3A_124 = vector.broadcast %mul3A_123 : i32 to vector<16xi32>
    %mul3A_125 = arith.muli %and3A_122, %mul3A_124 : vector<16xi32>
    %and3A_126 = arith.constant 255 : i32
    %and3A_127 = vector.broadcast %and3A_126 : i32 to vector<16xi32>
    %and3A_128 = arith.andi %get3A_116, %and3A_127 : vector<16xi32>
    %add3A_129 = arith.addi %mul3A_125, %and3A_128 : vector<16xi32>
    %swap3A_130 = arith.constant 112 : index
    %swap3A_131 = tpu.vector_load %arg6[%swap3A_130] {strides = array<i32>} : memref<128xi32, #tpu.memory_space<vmem>>, vector<16xi32>,
    tpu.vector_store %arg6[%swap3A_130], %add3A_129 {strides = array<i32>} : memref<128xi32, #tpu.memory_space<vmem>>, vector<16xi32>,
    %get3A_132 = arith.constant 0 : index
    %get3A_133 = tpu.vector_load %arg7[%get3A_132] {strides = array<i32>} : memref<64xi32, #tpu.memory_space<vmem>>, vector<16xi32>,
    %shift_right_arithmetic3A_134 = arith.constant 8 : i32
    %shift_right_arithmetic3A_135 = vector.broadcast %shift_right_arithmetic3A_134 : i32 to vector<16xi32>
    %shift_right_arithmetic3A_136 = arith.shrsi %get3A_133, %shift_right_arithmetic3A_135 : vector<16xi32>
    %and3A_137 = arith.constant 255 : i32
    %and3A_138 = vector.broadcast %and3A_137 : i32 to vector<16xi32>
    %and3A_139 = arith.andi %shift_right_arithmetic3A_136, %and3A_138 : vector<16xi32>
    %mul3A_140 = arith.constant 256 : i32
    %mul3A_141 = vector.broadcast %mul3A_140 : i32 to vector<16xi32>
    %mul3A_142 = arith.muli %and3A_139, %mul3A_141 : vector<16xi32>
    %and3A_143 = arith.constant 255 : i32
    %and3A_144 = vector.broadcast %and3A_143 : i32 to vector<16xi32>
    %and3A_145 = arith.andi %get3A_133, %and3A_144 : vector<16xi32>
    %add3A_146 = arith.addi %mul3A_142, %and3A_145 : vector<16xi32>
    %swap3A_147 = arith.constant 0 : index
    %swap3A_148 = tpu.vector_load %arg8[%swap3A_147] {strides = array<i32>} : memref<64xi32, #tpu.memory_space<vmem>>, vector<16xi32>,
    tpu.vector_store %arg8[%swap3A_147], %add3A_146 {strides = array<i32>} : memref<64xi32, #tpu.memory_space<vmem>>, vector<16xi32>,
    %get3A_149 = arith.constant 16 : index
    %get3A_150 = tpu.vector_load %arg7[%get3A_149] {strides = array<i32>} : memref<64xi32, #tpu.memory_space<vmem>>, vector<16xi32>,
    %shift_right_arithmetic3A_151 = arith.constant 8 : i32
    %shift_right_arithmetic3A_152 = vector.broadcast %shift_right_arithmetic3A_151 : i32 to vector<16xi32>
    %shift_right_arithmetic3A_153 = arith.shrsi %get3A_150, %shift_right_arithmetic3A_152 : vector<16xi32>
    %and3A_154 = arith.constant 255 : i32
    %and3A_155 = vector.broadcast %and3A_154 : i32 to vector<16xi32>
    %and3A_156 = arith.andi %shift_right_arithmetic3A_153, %and3A_155 : vector<16xi32>
    %mul3A_157 = arith.constant 256 : i32
    %mul3A_158 = vector.broadcast %mul3A_157 : i32 to vector<16xi32>
    %mul3A_159 = arith.muli %and3A_156, %mul3A_158 : vector<16xi32>
    %and3A_160 = arith.constant 255 : i32
    %and3A_161 = vector.broadcast %and3A_160 : i32 to vector<16xi32>
    %and3A_162 = arith.andi %get3A_150, %and3A_161 : vector<16xi32>
    %add3A_163 = arith.addi %mul3A_159, %and3A_162 : vector<16xi32>
    %swap3A_164 = arith.constant 16 : index
    %swap3A_165 = tpu.vector_load %arg8[%swap3A_164] {strides = array<i32>} : memref<64xi32, #tpu.memory_space<vmem>>, vector<16xi32>,
    tpu.vector_store %arg8[%swap3A_164], %add3A_163 {strides = array<i32>} : memref<64xi32, #tpu.memory_space<vmem>>, vector<16xi32>,
    %get3A_166 = arith.constant 32 : index
    %get3A_167 = tpu.vector_load %arg7[%get3A_166] {strides = array<i32>} : memref<64xi32, #tpu.memory_space<vmem>>, vector<16xi32>,
    %shift_right_arithmetic3A_168 = arith.constant 8 : i32
    %shift_right_arithmetic3A_169 = vector.broadcast %shift_right_arithmetic3A_168 : i32 to vector<16xi32>
    %shift_right_arithmetic3A_170 = arith.shrsi %get3A_167, %shift_right_arithmetic3A_169 : vector<16xi32>
    %and3A_171 = arith.constant 255 : i32
    %and3A_172 = vector.broadcast %and3A_171 : i32 to vector<16xi32>
    %and3A_173 = arith.andi %shift_right_arithmetic3A_170, %and3A_172 : vector<16xi32>
    %mul3A_174 = arith.constant 256 : i32
    %mul3A_175 = vector.broadcast %mul3A_174 : i32 to vector<16xi32>
    %mul3A_176 = arith.muli %and3A_173, %mul3A_175 : vector<16xi32>
    %and3A_177 = arith.constant 255 : i32
    %and3A_178 = vector.broadcast %and3A_177 : i32 to vector<16xi32>
    %and3A_179 = arith.andi %get3A_167, %and3A_178 : vector<16xi32>
    %add3A_180 = arith.addi %mul3A_176, %and3A_179 : vector<16xi32>
    %swap3A_181 = arith.constant 32 : index
    %swap3A_182 = tpu.vector_load %arg8[%swap3A_181] {strides = array<i32>} : memref<64xi32, #tpu.memory_space<vmem>>, vector<16xi32>,
    tpu.vector_store %arg8[%swap3A_181], %add3A_180 {strides = array<i32>} : memref<64xi32, #tpu.memory_space<vmem>>, vector<16xi32>,
    %get3A_183 = arith.constant 48 : index
    %get3A_184 = tpu.vector_load %arg7[%get3A_183] {strides = array<i32>} : memref<64xi32, #tpu.memory_space<vmem>>, vector<16xi32>,
    %shift_right_arithmetic3A_185 = arith.constant 8 : i32
    %shift_right_arithmetic3A_186 = vector.broadcast %shift_right_arithmetic3A_185 : i32 to vector<16xi32>
    %shift_right_arithmetic3A_187 = arith.shrsi %get3A_184, %shift_right_arithmetic3A_186 : vector<16xi32>
    %and3A_188 = arith.constant 255 : i32
    %and3A_189 = vector.broadcast %and3A_188 : i32 to vector<16xi32>
    %and3A_190 = arith.andi %shift_right_arithmetic3A_187, %and3A_189 : vector<16xi32>
    %mul3A_191 = arith.constant 256 : i32
    %mul3A_192 = vector.broadcast %mul3A_191 : i32 to vector<16xi32>
    %mul3A_193 = arith.muli %and3A_190, %mul3A_192 : vector<16xi32>
    %and3A_194 = arith.constant 255 : i32
    %and3A_195 = vector.broadcast %and3A_194 : i32 to vector<16xi32>
    %and3A_196 = arith.andi %get3A_184, %and3A_195 : vector<16xi32>
    %add3A_197 = arith.addi %mul3A_193, %and3A_196 : vector<16xi32>
    %swap3A_198 = arith.constant 48 : index
    %swap3A_199 = tpu.vector_load %arg8[%swap3A_198] {strides = array<i32>} : memref<64xi32, #tpu.memory_space<vmem>>, vector<16xi32>,
    tpu.vector_store %arg8[%swap3A_198], %add3A_197 {strides = array<i32>} : memref<64xi32, #tpu.memory_space<vmem>>, vector<16xi32>,
    %iota3A = tpu.iota {dimensions = array<i32: 0>} : vector<16xi32>
    %get3A_200 = arith.constant 0 : index
    %get3A_201 = tpu.vector_load %arg6[%get3A_200] {strides = array<i32>} : memref<128xi32, #tpu.memory_space<vmem>>, vector<16xi32>,
    %add3A_202 = arith.constant 0 : i32
    %add3A_203 = vector.broadcast %add3A_202 : i32 to vector<16xi32>
    %add3A_204 = arith.addi %add3A_203, %iota3A : vector<16xi32>
    tpu.vector_store_idx %arg9[%get3A_201], %add3A_204 : memref<65536xi32, #tpu.memory_space<vmem>>[vector<16xi32>], vector<16xi32>,
    %get3A_205 = arith.constant 16 : index
    %get3A_206 = tpu.vector_load %arg6[%get3A_205] {strides = array<i32>} : memref<128xi32, #tpu.memory_space<vmem>>, vector<16xi32>,
    %add3A_207 = arith.constant 16 : i32
    %add3A_208 = vector.broadcast %add3A_207 : i32 to vector<16xi32>
    %add3A_209 = arith.addi %add3A_208, %iota3A : vector<16xi32>
    tpu.vector_store_idx %arg9[%get3A_206], %add3A_209 : memref<65536xi32, #tpu.memory_space<vmem>>[vector<16xi32>], vector<16xi32>,
    %get3A_210 = arith.constant 32 : index
    %get3A_211 = tpu.vector_load %arg6[%get3A_210] {strides = array<i32>} : memref<128xi32, #tpu.memory_space<vmem>>, vector<16xi32>,
    %add3A_212 = arith.constant 32 : i32
    %add3A_213 = vector.broadcast %add3A_212 : i32 to vector<16xi32>
    %add3A_214 = arith.addi %add3A_213, %iota3A : vector<16xi32>
    tpu.vector_store_idx %arg9[%get3A_211], %add3A_214 : memref<65536xi32, #tpu.memory_space<vmem>>[vector<16xi32>], vector<16xi32>,
    %get3A_215 = arith.constant 48 : index
    %get3A_216 = tpu.vector_load %arg6[%get3A_215] {strides = array<i32>} : memref<128xi32, #tpu.memory_space<vmem>>, vector<16xi32>,
    %add3A_217 = arith.constant 48 : i32
    %add3A_218 = vector.broadcast %add3A_217 : i32 to vector<16xi32>
    %add3A_219 = arith.addi %add3A_218, %iota3A : vector<16xi32>
    tpu.vector_store_idx %arg9[%get3A_216], %add3A_219 : memref<65536xi32, #tpu.memory_space<vmem>>[vector<16xi32>], vector<16xi32>,
    %get3A_220 = arith.constant 64 : index
    %get3A_221 = tpu.vector_load %arg6[%get3A_220] {strides = array<i32>} : memref<128xi32, #tpu.memory_space<vmem>>, vector<16xi32>,
    %add3A_222 = arith.constant 64 : i32
    %add3A_223 = vector.broadcast %add3A_222 : i32 to vector<16xi32>
    %add3A_224 = arith.addi %add3A_223, %iota3A : vector<16xi32>
    tpu.vector_store_idx %arg9[%get3A_221], %add3A_224 : memref<65536xi32, #tpu.memory_space<vmem>>[vector<16xi32>], vector<16xi32>,
    %get3A_225 = arith.constant 80 : index
    %get3A_226 = tpu.vector_load %arg6[%get3A_225] {strides = array<i32>} : memref<128xi32, #tpu.memory_space<vmem>>, vector<16xi32>,
    %add3A_227 = arith.constant 80 : i32
    %add3A_228 = vector.broadcast %add3A_227 : i32 to vector<16xi32>
    %add3A_229 = arith.addi %add3A_228, %iota3A : vector<16xi32>
    tpu.vector_store_idx %arg9[%get3A_226], %add3A_229 : memref<65536xi32, #tpu.memory_space<vmem>>[vector<16xi32>], vector<16xi32>,
    %get3A_230 = arith.constant 96 : index
    %get3A_231 = tpu.vector_load %arg6[%get3A_230] {strides = array<i32>} : memref<128xi32, #tpu.memory_space<vmem>>, vector<16xi32>,
    %add3A_232 = arith.constant 96 : i32
    %add3A_233 = vector.broadcast %add3A_232 : i32 to vector<16xi32>
    %add3A_234 = arith.addi %add3A_233, %iota3A : vector<16xi32>
    tpu.vector_store_idx %arg9[%get3A_231], %add3A_234 : memref<65536xi32, #tpu.memory_space<vmem>>[vector<16xi32>], vector<16xi32>,
    %get3A_235 = arith.constant 112 : index
    %get3A_236 = tpu.vector_load %arg6[%get3A_235] {strides = array<i32>} : memref<128xi32, #tpu.memory_space<vmem>>, vector<16xi32>,
    %add3A_237 = arith.constant 112 : i32
    %add3A_238 = vector.broadcast %add3A_237 : i32 to vector<16xi32>
    %add3A_239 = arith.addi %add3A_238, %iota3A : vector<16xi32>
    tpu.vector_store_idx %arg9[%get3A_236], %add3A_239 : memref<65536xi32, #tpu.memory_space<vmem>>[vector<16xi32>], vector<16xi32>,
    %get3A_240 = arith.constant 0 : index
    %get3A_241 = tpu.vector_load %arg8[%get3A_240] {strides = array<i32>} : memref<64xi32, #tpu.memory_space<vmem>>, vector<16xi32>,
    %shift_right_arithmetic3A_242 = arith.constant 11 : i32
    %shift_right_arithmetic3A_243 = vector.broadcast %shift_right_arithmetic3A_242 : i32 to vector<16xi32>
    %shift_right_arithmetic3A_244 = arith.shrsi %get3A_241, %shift_right_arithmetic3A_243 : vector<16xi32>
    %shift_left3A = arith.constant 11 : i32
    %shift_left3A_245 = vector.broadcast %shift_left3A : i32 to vector<16xi32>
    %shift_left3A_246 = arith.shli %shift_right_arithmetic3A_244, %shift_left3A_245 : vector<16xi32>
    %shift_right_arithmetic3A_247 = arith.constant 7 : i32
    %shift_right_arithmetic3A_248 = vector.broadcast %shift_right_arithmetic3A_247 : i32 to vector<16xi32>
    %shift_right_arithmetic3A_249 = arith.shrsi %get3A_241, %shift_right_arithmetic3A_248 : vector<16xi32>
    %and3A_250 = arith.constant 1 : i32
    %and3A_251 = vector.broadcast %and3A_250 : i32 to vector<16xi32>
    %and3A_252 = arith.andi %shift_right_arithmetic3A_249, %and3A_251 : vector<16xi32>
    %shift_left3A_253 = arith.constant 10 : i32
    %shift_left3A_254 = vector.broadcast %shift_left3A_253 : i32 to vector<16xi32>
    %shift_left3A_255 = arith.shli %and3A_252, %shift_left3A_254 : vector<16xi32>
    %or3A = arith.ori %shift_left3A_246, %shift_left3A_255 : vector<16xi32>
    %shift_right_arithmetic3A_256 = arith.constant 8 : i32
    %shift_right_arithmetic3A_257 = vector.broadcast %shift_right_arithmetic3A_256 : i32 to vector<16xi32>
    %shift_right_arithmetic3A_258 = arith.shrsi %get3A_241, %shift_right_arithmetic3A_257 : vector<16xi32>
    %and3A_259 = arith.constant 7 : i32
    %and3A_260 = vector.broadcast %and3A_259 : i32 to vector<16xi32>
    %and3A_261 = arith.andi %shift_right_arithmetic3A_258, %and3A_260 : vector<16xi32>
    %shift_left3A_262 = arith.constant 7 : i32
    %shift_left3A_263 = vector.broadcast %shift_left3A_262 : i32 to vector<16xi32>
    %shift_left3A_264 = arith.shli %and3A_261, %shift_left3A_263 : vector<16xi32>
    %or3A_265 = arith.ori %or3A, %shift_left3A_264 : vector<16xi32>
    %and3A_266 = arith.constant 127 : i32
    %and3A_267 = vector.broadcast %and3A_266 : i32 to vector<16xi32>
    %and3A_268 = arith.andi %get3A_241, %and3A_267 : vector<16xi32>
    %or3A_269 = arith.ori %or3A_265, %and3A_268 : vector<16xi32>
    %mul3A_270 = arith.constant 131072 : i32
    %mul3A_271 = arith.muli %arg1, %mul3A_270 : i32
    %add3A_272 = arith.constant 0 : i32
    %add3A_273 = arith.addi %add3A_272, %mul3A_271 : i32
    %add3A_274 = vector.broadcast %add3A_273 : i32 to vector<16xi32>
    %add3A_275 = arith.addi %or3A_269, %add3A_274 : vector<16xi32>
    %swap3A_276 = arith.constant 0 : i32
    %swap3A_277 = arith.index_cast %swap3A_276 : i32 to index
    %swap3A_278 = arith.constant 0 : index
    %swap3A_279 = tpu.vector_load %arg10[%swap3A_277, %swap3A_278] {strides = array<i32>} : memref<4x128xi32, #tpu.memory_space<vmem>>, vector<16xi32>,
    tpu.vector_store %arg10[%swap3A_277, %swap3A_278], %add3A_275 {strides = array<i32>} : memref<4x128xi32, #tpu.memory_space<vmem>>, vector<16xi32>,
    %mul3A_280 = arith.constant 131072 : i32
    %mul3A_281 = arith.muli %arg1, %mul3A_280 : i32
    %add3A_282 = arith.constant 65536 : i32
    %add3A_283 = arith.addi %add3A_282, %mul3A_281 : i32
    %add3A_284 = vector.broadcast %add3A_283 : i32 to vector<16xi32>
    %add3A_285 = arith.addi %or3A_269, %add3A_284 : vector<16xi32>
    %swap3A_286 = arith.constant 0 : i32
    %swap3A_287 = arith.index_cast %swap3A_286 : i32 to index
    %swap3A_288 = arith.constant 64 : index
    %swap3A_289 = tpu.vector_load %arg10[%swap3A_287, %swap3A_288] {strides = array<i32>} : memref<4x128xi32, #tpu.memory_space<vmem>>, vector<16xi32>,
    tpu.vector_store %arg10[%swap3A_287, %swap3A_288], %add3A_285 {strides = array<i32>} : memref<4x128xi32, #tpu.memory_space<vmem>>, vector<16xi32>,
    %mul3A_290 = arith.constant 131072 : i32
    %mul3A_291 = arith.muli %arg1, %mul3A_290 : i32
    %add3A_292 = arith.constant 2097152 : i32
    %add3A_293 = arith.addi %add3A_292, %mul3A_291 : i32
    %add3A_294 = vector.broadcast %add3A_293 : i32 to vector<16xi32>
    %add3A_295 = arith.addi %or3A_269, %add3A_294 : vector<16xi32>
    %swap3A_296 = arith.constant 1 : i32
    %swap3A_297 = arith.index_cast %swap3A_296 : i32 to index
    %swap3A_298 = arith.constant 0 : index
    %swap3A_299 = tpu.vector_load %arg10[%swap3A_297, %swap3A_298] {strides = array<i32>} : memref<4x128xi32, #tpu.memory_space<vmem>>, vector<16xi32>,
    tpu.vector_store %arg10[%swap3A_297, %swap3A_298], %add3A_295 {strides = array<i32>} : memref<4x128xi32, #tpu.memory_space<vmem>>, vector<16xi32>,
    %mul3A_300 = arith.constant 131072 : i32
    %mul3A_301 = arith.muli %arg1, %mul3A_300 : i32
    %add3A_302 = arith.constant 2162688 : i32
    %add3A_303 = arith.addi %add3A_302, %mul3A_301 : i32
    %add3A_304 = vector.broadcast %add3A_303 : i32 to vector<16xi32>
    %add3A_305 = arith.addi %or3A_269, %add3A_304 : vector<16xi32>
    %swap3A_306 = arith.constant 1 : i32
    %swap3A_307 = arith.index_cast %swap3A_306 : i32 to index
    %swap3A_308 = arith.constant 64 : index
    %swap3A_309 = tpu.vector_load %arg10[%swap3A_307, %swap3A_308] {strides = array<i32>} : memref<4x128xi32, #tpu.memory_space<vmem>>, vector<16xi32>,
    tpu.vector_store %arg10[%swap3A_307, %swap3A_308], %add3A_305 {strides = array<i32>} : memref<4x128xi32, #tpu.memory_space<vmem>>, vector<16xi32>,
    %mul3A_310 = arith.constant 131072 : i32
    %mul3A_311 = arith.muli %arg1, %mul3A_310 : i32
    %add3A_312 = arith.constant 4194304 : i32
    %add3A_313 = arith.addi %add3A_312, %mul3A_311 : i32
    %add3A_314 = vector.broadcast %add3A_313 : i32 to vector<16xi32>
    %add3A_315 = arith.addi %or3A_269, %add3A_314 : vector<16xi32>
    %swap3A_316 = arith.constant 2 : i32
    %swap3A_317 = arith.index_cast %swap3A_316 : i32 to index
    %swap3A_318 = arith.constant 0 : index
    %swap3A_319 = tpu.vector_load %arg10[%swap3A_317, %swap3A_318] {strides = array<i32>} : memref<4x128xi32, #tpu.memory_space<vmem>>, vector<16xi32>,
    tpu.vector_store %arg10[%swap3A_317, %swap3A_318], %add3A_315 {strides = array<i32>} : memref<4x128xi32, #tpu.memory_space<vmem>>, vector<16xi32>,
    %mul3A_320 = arith.constant 131072 : i32
    %mul3A_321 = arith.muli %arg1, %mul3A_320 : i32
    %add3A_322 = arith.constant 4259840 : i32
    %add3A_323 = arith.addi %add3A_322, %mul3A_321 : i32
    %add3A_324 = vector.broadcast %add3A_323 : i32 to vector<16xi32>
    %add3A_325 = arith.addi %or3A_269, %add3A_324 : vector<16xi32>
    %swap3A_326 = arith.constant 2 : i32
    %swap3A_327 = arith.index_cast %swap3A_326 : i32 to index
    %swap3A_328 = arith.constant 64 : index
    %swap3A_329 = tpu.vector_load %arg10[%swap3A_327, %swap3A_328] {strides = array<i32>} : memref<4x128xi32, #tpu.memory_space<vmem>>, vector<16xi32>,
    tpu.vector_store %arg10[%swap3A_327, %swap3A_328], %add3A_325 {strides = array<i32>} : memref<4x128xi32, #tpu.memory_space<vmem>>, vector<16xi32>,
    %mul3A_330 = arith.constant 131072 : i32
    %mul3A_331 = arith.muli %arg1, %mul3A_330 : i32
    %add3A_332 = arith.constant 6291456 : i32
    %add3A_333 = arith.addi %add3A_332, %mul3A_331 : i32
    %add3A_334 = vector.broadcast %add3A_333 : i32 to vector<16xi32>
    %add3A_335 = arith.addi %or3A_269, %add3A_334 : vector<16xi32>
    %swap3A_336 = arith.constant 3 : i32
    %swap3A_337 = arith.index_cast %swap3A_336 : i32 to index
    %swap3A_338 = arith.constant 0 : index
    %swap3A_339 = tpu.vector_load %arg10[%swap3A_337, %swap3A_338] {strides = array<i32>} : memref<4x128xi32, #tpu.memory_space<vmem>>, vector<16xi32>,
    tpu.vector_store %arg10[%swap3A_337, %swap3A_338], %add3A_335 {strides = array<i32>} : memref<4x128xi32, #tpu.memory_space<vmem>>, vector<16xi32>,
    %mul3A_340 = arith.constant 131072 : i32
    %mul3A_341 = arith.muli %arg1, %mul3A_340 : i32
    %add3A_342 = arith.constant 6356992 : i32
    %add3A_343 = arith.addi %add3A_342, %mul3A_341 : i32
    %add3A_344 = vector.broadcast %add3A_343 : i32 to vector<16xi32>
    %add3A_345 = arith.addi %or3A_269, %add3A_344 : vector<16xi32>
    %swap3A_346 = arith.constant 3 : i32
    %swap3A_347 = arith.index_cast %swap3A_346 : i32 to index
    %swap3A_348 = arith.constant 64 : index
    %swap3A_349 = tpu.vector_load %arg10[%swap3A_347, %swap3A_348] {strides = array<i32>} : memref<4x128xi32, #tpu.memory_space<vmem>>, vector<16xi32>,
    tpu.vector_store %arg10[%swap3A_347, %swap3A_348], %add3A_345 {strides = array<i32>} : memref<4x128xi32, #tpu.memory_space<vmem>>, vector<16xi32>,
    %get3A_350 = arith.constant 16 : index
    %get3A_351 = tpu.vector_load %arg8[%get3A_350] {strides = array<i32>} : memref<64xi32, #tpu.memory_space<vmem>>, vector<16xi32>,
    %shift_right_arithmetic3A_352 = arith.constant 11 : i32
    %shift_right_arithmetic3A_353 = vector.broadcast %shift_right_arithmetic3A_352 : i32 to vector<16xi32>
    %shift_right_arithmetic3A_354 = arith.shrsi %get3A_351, %shift_right_arithmetic3A_353 : vector<16xi32>
    %shift_left3A_355 = arith.constant 11 : i32
    %shift_left3A_356 = vector.broadcast %shift_left3A_355 : i32 to vector<16xi32>
    %shift_left3A_357 = arith.shli %shift_right_arithmetic3A_354, %shift_left3A_356 : vector<16xi32>
    %shift_right_arithmetic3A_358 = arith.constant 7 : i32
    %shift_right_arithmetic3A_359 = vector.broadcast %shift_right_arithmetic3A_358 : i32 to vector<16xi32>
    %shift_right_arithmetic3A_360 = arith.shrsi %get3A_351, %shift_right_arithmetic3A_359 : vector<16xi32>
    %and3A_361 = arith.constant 1 : i32
    %and3A_362 = vector.broadcast %and3A_361 : i32 to vector<16xi32>
    %and3A_363 = arith.andi %shift_right_arithmetic3A_360, %and3A_362 : vector<16xi32>
    %shift_left3A_364 = arith.constant 10 : i32
    %shift_left3A_365 = vector.broadcast %shift_left3A_364 : i32 to vector<16xi32>
    %shift_left3A_366 = arith.shli %and3A_363, %shift_left3A_365 : vector<16xi32>
    %or3A_367 = arith.ori %shift_left3A_357, %shift_left3A_366 : vector<16xi32>
    %shift_right_arithmetic3A_368 = arith.constant 8 : i32
    %shift_right_arithmetic3A_369 = vector.broadcast %shift_right_arithmetic3A_368 : i32 to vector<16xi32>
    %shift_right_arithmetic3A_370 = arith.shrsi %get3A_351, %shift_right_arithmetic3A_369 : vector<16xi32>
    %and3A_371 = arith.constant 7 : i32
    %and3A_372 = vector.broadcast %and3A_371 : i32 to vector<16xi32>
    %and3A_373 = arith.andi %shift_right_arithmetic3A_370, %and3A_372 : vector<16xi32>
    %shift_left3A_374 = arith.constant 7 : i32
    %shift_left3A_375 = vector.broadcast %shift_left3A_374 : i32 to vector<16xi32>
    %shift_left3A_376 = arith.shli %and3A_373, %shift_left3A_375 : vector<16xi32>
    %or3A_377 = arith.ori %or3A_367, %shift_left3A_376 : vector<16xi32>
    %and3A_378 = arith.constant 127 : i32
    %and3A_379 = vector.broadcast %and3A_378 : i32 to vector<16xi32>
    %and3A_380 = arith.andi %get3A_351, %and3A_379 : vector<16xi32>
    %or3A_381 = arith.ori %or3A_377, %and3A_380 : vector<16xi32>
    %mul3A_382 = arith.constant 131072 : i32
    %mul3A_383 = arith.muli %arg1, %mul3A_382 : i32
    %add3A_384 = arith.constant 0 : i32
    %add3A_385 = arith.addi %add3A_384, %mul3A_383 : i32
    %add3A_386 = vector.broadcast %add3A_385 : i32 to vector<16xi32>
    %add3A_387 = arith.addi %or3A_381, %add3A_386 : vector<16xi32>
    %swap3A_388 = arith.constant 0 : i32
    %swap3A_389 = arith.index_cast %swap3A_388 : i32 to index
    %swap3A_390 = arith.constant 16 : index
    %swap3A_391 = tpu.vector_load %arg10[%swap3A_389, %swap3A_390] {strides = array<i32>} : memref<4x128xi32, #tpu.memory_space<vmem>>, vector<16xi32>,
    tpu.vector_store %arg10[%swap3A_389, %swap3A_390], %add3A_387 {strides = array<i32>} : memref<4x128xi32, #tpu.memory_space<vmem>>, vector<16xi32>,
    %mul3A_392 = arith.constant 131072 : i32
    %mul3A_393 = arith.muli %arg1, %mul3A_392 : i32
    %add3A_394 = arith.constant 65536 : i32
    %add3A_395 = arith.addi %add3A_394, %mul3A_393 : i32
    %add3A_396 = vector.broadcast %add3A_395 : i32 to vector<16xi32>
    %add3A_397 = arith.addi %or3A_381, %add3A_396 : vector<16xi32>
    %swap3A_398 = arith.constant 0 : i32
    %swap3A_399 = arith.index_cast %swap3A_398 : i32 to index
    %swap3A_400 = arith.constant 80 : index
    %swap3A_401 = tpu.vector_load %arg10[%swap3A_399, %swap3A_400] {strides = array<i32>} : memref<4x128xi32, #tpu.memory_space<vmem>>, vector<16xi32>,
    tpu.vector_store %arg10[%swap3A_399, %swap3A_400], %add3A_397 {strides = array<i32>} : memref<4x128xi32, #tpu.memory_space<vmem>>, vector<16xi32>,
    %mul3A_402 = arith.constant 131072 : i32
    %mul3A_403 = arith.muli %arg1, %mul3A_402 : i32
    %add3A_404 = arith.constant 2097152 : i32
    %add3A_405 = arith.addi %add3A_404, %mul3A_403 : i32
    %add3A_406 = vector.broadcast %add3A_405 : i32 to vector<16xi32>
    %add3A_407 = arith.addi %or3A_381, %add3A_406 : vector<16xi32>
    %swap3A_408 = arith.constant 1 : i32
    %swap3A_409 = arith.index_cast %swap3A_408 : i32 to index
    %swap3A_410 = arith.constant 16 : index
    %swap3A_411 = tpu.vector_load %arg10[%swap3A_409, %swap3A_410] {strides = array<i32>} : memref<4x128xi32, #tpu.memory_space<vmem>>, vector<16xi32>,
    tpu.vector_store %arg10[%swap3A_409, %swap3A_410], %add3A_407 {strides = array<i32>} : memref<4x128xi32, #tpu.memory_space<vmem>>, vector<16xi32>,
    %mul3A_412 = arith.constant 131072 : i32
    %mul3A_413 = arith.muli %arg1, %mul3A_412 : i32
    %add3A_414 = arith.constant 2162688 : i32
    %add3A_415 = arith.addi %add3A_414, %mul3A_413 : i32
    %add3A_416 = vector.broadcast %add3A_415 : i32 to vector<16xi32>
    %add3A_417 = arith.addi %or3A_381, %add3A_416 : vector<16xi32>
    %swap3A_418 = arith.constant 1 : i32
    %swap3A_419 = arith.index_cast %swap3A_418 : i32 to index
    %swap3A_420 = arith.constant 80 : index
    %swap3A_421 = tpu.vector_load %arg10[%swap3A_419, %swap3A_420] {strides = array<i32>} : memref<4x128xi32, #tpu.memory_space<vmem>>, vector<16xi32>,
    tpu.vector_store %arg10[%swap3A_419, %swap3A_420], %add3A_417 {strides = array<i32>} : memref<4x128xi32, #tpu.memory_space<vmem>>, vector<16xi32>,
    %mul3A_422 = arith.constant 131072 : i32
    %mul3A_423 = arith.muli %arg1, %mul3A_422 : i32
    %add3A_424 = arith.constant 4194304 : i32
    %add3A_425 = arith.addi %add3A_424, %mul3A_423 : i32
    %add3A_426 = vector.broadcast %add3A_425 : i32 to vector<16xi32>
    %add3A_427 = arith.addi %or3A_381, %add3A_426 : vector<16xi32>
    %swap3A_428 = arith.constant 2 : i32
    %swap3A_429 = arith.index_cast %swap3A_428 : i32 to index
    %swap3A_430 = arith.constant 16 : index
    %swap3A_431 = tpu.vector_load %arg10[%swap3A_429, %swap3A_430] {strides = array<i32>} : memref<4x128xi32, #tpu.memory_space<vmem>>, vector<16xi32>,
    tpu.vector_store %arg10[%swap3A_429, %swap3A_430], %add3A_427 {strides = array<i32>} : memref<4x128xi32, #tpu.memory_space<vmem>>, vector<16xi32>,
    %mul3A_432 = arith.constant 131072 : i32
    %mul3A_433 = arith.muli %arg1, %mul3A_432 : i32
    %add3A_434 = arith.constant 4259840 : i32
    %add3A_435 = arith.addi %add3A_434, %mul3A_433 : i32
    %add3A_436 = vector.broadcast %add3A_435 : i32 to vector<16xi32>
    %add3A_437 = arith.addi %or3A_381, %add3A_436 : vector<16xi32>
    %swap3A_438 = arith.constant 2 : i32
    %swap3A_439 = arith.index_cast %swap3A_438 : i32 to index
    %swap3A_440 = arith.constant 80 : index
    %swap3A_441 = tpu.vector_load %arg10[%swap3A_439, %swap3A_440] {strides = array<i32>} : memref<4x128xi32, #tpu.memory_space<vmem>>, vector<16xi32>,
    tpu.vector_store %arg10[%swap3A_439, %swap3A_440], %add3A_437 {strides = array<i32>} : memref<4x128xi32, #tpu.memory_space<vmem>>, vector<16xi32>,
    %mul3A_442 = arith.constant 131072 : i32
    %mul3A_443 = arith.muli %arg1, %mul3A_442 : i32
    %add3A_444 = arith.constant 6291456 : i32
    %add3A_445 = arith.addi %add3A_444, %mul3A_443 : i32
    %add3A_446 = vector.broadcast %add3A_445 : i32 to vector<16xi32>
    %add3A_447 = arith.addi %or3A_381, %add3A_446 : vector<16xi32>
    %swap3A_448 = arith.constant 3 : i32
    %swap3A_449 = arith.index_cast %swap3A_448 : i32 to index
    %swap3A_450 = arith.constant 16 : index
    %swap3A_451 = tpu.vector_load %arg10[%swap3A_449, %swap3A_450] {strides = array<i32>} : memref<4x128xi32, #tpu.memory_space<vmem>>, vector<16xi32>,
    tpu.vector_store %arg10[%swap3A_449, %swap3A_450], %add3A_447 {strides = array<i32>} : memref<4x128xi32, #tpu.memory_space<vmem>>, vector<16xi32>,
    %mul3A_452 = arith.constant 131072 : i32
    %mul3A_453 = arith.muli %arg1, %mul3A_452 : i32
    %add3A_454 = arith.constant 6356992 : i32
    %add3A_455 = arith.addi %add3A_454, %mul3A_453 : i32
    %add3A_456 = vector.broadcast %add3A_455 : i32 to vector<16xi32>
    %add3A_457 = arith.addi %or3A_381, %add3A_456 : vector<16xi32>
    %swap3A_458 = arith.constant 3 : i32
    %swap3A_459 = arith.index_cast %swap3A_458 : i32 to index
    %swap3A_460 = arith.constant 80 : index
    %swap3A_461 = tpu.vector_load %arg10[%swap3A_459, %swap3A_460] {strides = array<i32>} : memref<4x128xi32, #tpu.memory_space<vmem>>, vector<16xi32>,
    tpu.vector_store %arg10[%swap3A_459, %swap3A_460], %add3A_457 {strides = array<i32>} : memref<4x128xi32, #tpu.memory_space<vmem>>, vector<16xi32>,
    %get3A_462 = arith.constant 32 : index
    %get3A_463 = tpu.vector_load %arg8[%get3A_462] {strides = array<i32>} : memref<64xi32, #tpu.memory_space<vmem>>, vector<16xi32>,
    %shift_right_arithmetic3A_464 = arith.constant 11 : i32
    %shift_right_arithmetic3A_465 = vector.broadcast %shift_right_arithmetic3A_464 : i32 to vector<16xi32>
    %shift_right_arithmetic3A_466 = arith.shrsi %get3A_463, %shift_right_arithmetic3A_465 : vector<16xi32>
    %shift_left3A_467 = arith.constant 11 : i32
    %shift_left3A_468 = vector.broadcast %shift_left3A_467 : i32 to vector<16xi32>
    %shift_left3A_469 = arith.shli %shift_right_arithmetic3A_466, %shift_left3A_468 : vector<16xi32>
    %shift_right_arithmetic3A_470 = arith.constant 7 : i32
    %shift_right_arithmetic3A_471 = vector.broadcast %shift_right_arithmetic3A_470 : i32 to vector<16xi32>
    %shift_right_arithmetic3A_472 = arith.shrsi %get3A_463, %shift_right_arithmetic3A_471 : vector<16xi32>
    %and3A_473 = arith.constant 1 : i32
    %and3A_474 = vector.broadcast %and3A_473 : i32 to vector<16xi32>
    %and3A_475 = arith.andi %shift_right_arithmetic3A_472, %and3A_474 : vector<16xi32>
    %shift_left3A_476 = arith.constant 10 : i32
    %shift_left3A_477 = vector.broadcast %shift_left3A_476 : i32 to vector<16xi32>
    %shift_left3A_478 = arith.shli %and3A_475, %shift_left3A_477 : vector<16xi32>
    %or3A_479 = arith.ori %shift_left3A_469, %shift_left3A_478 : vector<16xi32>
    %shift_right_arithmetic3A_480 = arith.constant 8 : i32
    %shift_right_arithmetic3A_481 = vector.broadcast %shift_right_arithmetic3A_480 : i32 to vector<16xi32>
    %shift_right_arithmetic3A_482 = arith.shrsi %get3A_463, %shift_right_arithmetic3A_481 : vector<16xi32>
    %and3A_483 = arith.constant 7 : i32
    %and3A_484 = vector.broadcast %and3A_483 : i32 to vector<16xi32>
    %and3A_485 = arith.andi %shift_right_arithmetic3A_482, %and3A_484 : vector<16xi32>
    %shift_left3A_486 = arith.constant 7 : i32
    %shift_left3A_487 = vector.broadcast %shift_left3A_486 : i32 to vector<16xi32>
    %shift_left3A_488 = arith.shli %and3A_485, %shift_left3A_487 : vector<16xi32>
    %or3A_489 = arith.ori %or3A_479, %shift_left3A_488 : vector<16xi32>
    %and3A_490 = arith.constant 127 : i32
    %and3A_491 = vector.broadcast %and3A_490 : i32 to vector<16xi32>
    %and3A_492 = arith.andi %get3A_463, %and3A_491 : vector<16xi32>
    %or3A_493 = arith.ori %or3A_489, %and3A_492 : vector<16xi32>
    %mul3A_494 = arith.constant 131072 : i32
    %mul3A_495 = arith.muli %arg1, %mul3A_494 : i32
    %add3A_496 = arith.constant 0 : i32
    %add3A_497 = arith.addi %add3A_496, %mul3A_495 : i32
    %add3A_498 = vector.broadcast %add3A_497 : i32 to vector<16xi32>
    %add3A_499 = arith.addi %or3A_493, %add3A_498 : vector<16xi32>
    %swap3A_500 = arith.constant 0 : i32
    %swap3A_501 = arith.index_cast %swap3A_500 : i32 to index
    %swap3A_502 = arith.constant 32 : index
    %swap3A_503 = tpu.vector_load %arg10[%swap3A_501, %swap3A_502] {strides = array<i32>} : memref<4x128xi32, #tpu.memory_space<vmem>>, vector<16xi32>,
    tpu.vector_store %arg10[%swap3A_501, %swap3A_502], %add3A_499 {strides = array<i32>} : memref<4x128xi32, #tpu.memory_space<vmem>>, vector<16xi32>,
    %mul3A_504 = arith.constant 131072 : i32
    %mul3A_505 = arith.muli %arg1, %mul3A_504 : i32
    %add3A_506 = arith.constant 65536 : i32
    %add3A_507 = arith.addi %add3A_506, %mul3A_505 : i32
    %add3A_508 = vector.broadcast %add3A_507 : i32 to vector<16xi32>
    %add3A_509 = arith.addi %or3A_493, %add3A_508 : vector<16xi32>
    %swap3A_510 = arith.constant 0 : i32
    %swap3A_511 = arith.index_cast %swap3A_510 : i32 to index
    %swap3A_512 = arith.constant 96 : index
    %swap3A_513 = tpu.vector_load %arg10[%swap3A_511, %swap3A_512] {strides = array<i32>} : memref<4x128xi32, #tpu.memory_space<vmem>>, vector<16xi32>,
    tpu.vector_store %arg10[%swap3A_511, %swap3A_512], %add3A_509 {strides = array<i32>} : memref<4x128xi32, #tpu.memory_space<vmem>>, vector<16xi32>,
    %mul3A_514 = arith.constant 131072 : i32
    %mul3A_515 = arith.muli %arg1, %mul3A_514 : i32
    %add3A_516 = arith.constant 2097152 : i32
    %add3A_517 = arith.addi %add3A_516, %mul3A_515 : i32
    %add3A_518 = vector.broadcast %add3A_517 : i32 to vector<16xi32>
    %add3A_519 = arith.addi %or3A_493, %add3A_518 : vector<16xi32>
    %swap3A_520 = arith.constant 1 : i32
    %swap3A_521 = arith.index_cast %swap3A_520 : i32 to index
    %swap3A_522 = arith.constant 32 : index
    %swap3A_523 = tpu.vector_load %arg10[%swap3A_521, %swap3A_522] {strides = array<i32>} : memref<4x128xi32, #tpu.memory_space<vmem>>, vector<16xi32>,
    tpu.vector_store %arg10[%swap3A_521, %swap3A_522], %add3A_519 {strides = array<i32>} : memref<4x128xi32, #tpu.memory_space<vmem>>, vector<16xi32>,
    %mul3A_524 = arith.constant 131072 : i32
    %mul3A_525 = arith.muli %arg1, %mul3A_524 : i32
    %add3A_526 = arith.constant 2162688 : i32
    %add3A_527 = arith.addi %add3A_526, %mul3A_525 : i32
    %add3A_528 = vector.broadcast %add3A_527 : i32 to vector<16xi32>
    %add3A_529 = arith.addi %or3A_493, %add3A_528 : vector<16xi32>
    %swap3A_530 = arith.constant 1 : i32
    %swap3A_531 = arith.index_cast %swap3A_530 : i32 to index
    %swap3A_532 = arith.constant 96 : index
    %swap3A_533 = tpu.vector_load %arg10[%swap3A_531, %swap3A_532] {strides = array<i32>} : memref<4x128xi32, #tpu.memory_space<vmem>>, vector<16xi32>,
    tpu.vector_store %arg10[%swap3A_531, %swap3A_532], %add3A_529 {strides = array<i32>} : memref<4x128xi32, #tpu.memory_space<vmem>>, vector<16xi32>,
    %mul3A_534 = arith.constant 131072 : i32
    %mul3A_535 = arith.muli %arg1, %mul3A_534 : i32
    %add3A_536 = arith.constant 4194304 : i32
    %add3A_537 = arith.addi %add3A_536, %mul3A_535 : i32
    %add3A_538 = vector.broadcast %add3A_537 : i32 to vector<16xi32>
    %add3A_539 = arith.addi %or3A_493, %add3A_538 : vector<16xi32>
    %swap3A_540 = arith.constant 2 : i32
    %swap3A_541 = arith.index_cast %swap3A_540 : i32 to index
    %swap3A_542 = arith.constant 32 : index
    %swap3A_543 = tpu.vector_load %arg10[%swap3A_541, %swap3A_542] {strides = array<i32>} : memref<4x128xi32, #tpu.memory_space<vmem>>, vector<16xi32>,
    tpu.vector_store %arg10[%swap3A_541, %swap3A_542], %add3A_539 {strides = array<i32>} : memref<4x128xi32, #tpu.memory_space<vmem>>, vector<16xi32>,
    %mul3A_544 = arith.constant 131072 : i32
    %mul3A_545 = arith.muli %arg1, %mul3A_544 : i32
    %add3A_546 = arith.constant 4259840 : i32
    %add3A_547 = arith.addi %add3A_546, %mul3A_545 : i32
    %add3A_548 = vector.broadcast %add3A_547 : i32 to vector<16xi32>
    %add3A_549 = arith.addi %or3A_493, %add3A_548 : vector<16xi32>
    %swap3A_550 = arith.constant 2 : i32
    %swap3A_551 = arith.index_cast %swap3A_550 : i32 to index
    %swap3A_552 = arith.constant 96 : index
    %swap3A_553 = tpu.vector_load %arg10[%swap3A_551, %swap3A_552] {strides = array<i32>} : memref<4x128xi32, #tpu.memory_space<vmem>>, vector<16xi32>,
    tpu.vector_store %arg10[%swap3A_551, %swap3A_552], %add3A_549 {strides = array<i32>} : memref<4x128xi32, #tpu.memory_space<vmem>>, vector<16xi32>,
    %mul3A_554 = arith.constant 131072 : i32
    %mul3A_555 = arith.muli %arg1, %mul3A_554 : i32
    %add3A_556 = arith.constant 6291456 : i32
    %add3A_557 = arith.addi %add3A_556, %mul3A_555 : i32
    %add3A_558 = vector.broadcast %add3A_557 : i32 to vector<16xi32>
    %add3A_559 = arith.addi %or3A_493, %add3A_558 : vector<16xi32>
    %swap3A_560 = arith.constant 3 : i32
    %swap3A_561 = arith.index_cast %swap3A_560 : i32 to index
    %swap3A_562 = arith.constant 32 : index
    %swap3A_563 = tpu.vector_load %arg10[%swap3A_561, %swap3A_562] {strides = array<i32>} : memref<4x128xi32, #tpu.memory_space<vmem>>, vector<16xi32>,
    tpu.vector_store %arg10[%swap3A_561, %swap3A_562], %add3A_559 {strides = array<i32>} : memref<4x128xi32, #tpu.memory_space<vmem>>, vector<16xi32>,
    %mul3A_564 = arith.constant 131072 : i32
    %mul3A_565 = arith.muli %arg1, %mul3A_564 : i32
    %add3A_566 = arith.constant 6356992 : i32
    %add3A_567 = arith.addi %add3A_566, %mul3A_565 : i32
    %add3A_568 = vector.broadcast %add3A_567 : i32 to vector<16xi32>
    %add3A_569 = arith.addi %or3A_493, %add3A_568 : vector<16xi32>
    %swap3A_570 = arith.constant 3 : i32
    %swap3A_571 = arith.index_cast %swap3A_570 : i32 to index
    %swap3A_572 = arith.constant 96 : index
    %swap3A_573 = tpu.vector_load %arg10[%swap3A_571, %swap3A_572] {strides = array<i32>} : memref<4x128xi32, #tpu.memory_space<vmem>>, vector<16xi32>,
    tpu.vector_store %arg10[%swap3A_571, %swap3A_572], %add3A_569 {strides = array<i32>} : memref<4x128xi32, #tpu.memory_space<vmem>>, vector<16xi32>,
    %get3A_574 = arith.constant 48 : index
    %get3A_575 = tpu.vector_load %arg8[%get3A_574] {strides = array<i32>} : memref<64xi32, #tpu.memory_space<vmem>>, vector<16xi32>,
    %shift_right_arithmetic3A_576 = arith.constant 11 : i32
    %shift_right_arithmetic3A_577 = vector.broadcast %shift_right_arithmetic3A_576 : i32 to vector<16xi32>
    %shift_right_arithmetic3A_578 = arith.shrsi %get3A_575, %shift_right_arithmetic3A_577 : vector<16xi32>
    %shift_left3A_579 = arith.constant 11 : i32
    %shift_left3A_580 = vector.broadcast %shift_left3A_579 : i32 to vector<16xi32>
    %shift_left3A_581 = arith.shli %shift_right_arithmetic3A_578, %shift_left3A_580 : vector<16xi32>
    %shift_right_arithmetic3A_582 = arith.constant 7 : i32
    %shift_right_arithmetic3A_583 = vector.broadcast %shift_right_arithmetic3A_582 : i32 to vector<16xi32>
    %shift_right_arithmetic3A_584 = arith.shrsi %get3A_575, %shift_right_arithmetic3A_583 : vector<16xi32>
    %and3A_585 = arith.constant 1 : i32
    %and3A_586 = vector.broadcast %and3A_585 : i32 to vector<16xi32>
    %and3A_587 = arith.andi %shift_right_arithmetic3A_584, %and3A_586 : vector<16xi32>
    %shift_left3A_588 = arith.constant 10 : i32
    %shift_left3A_589 = vector.broadcast %shift_left3A_588 : i32 to vector<16xi32>
    %shift_left3A_590 = arith.shli %and3A_587, %shift_left3A_589 : vector<16xi32>
    %or3A_591 = arith.ori %shift_left3A_581, %shift_left3A_590 : vector<16xi32>
    %shift_right_arithmetic3A_592 = arith.constant 8 : i32
    %shift_right_arithmetic3A_593 = vector.broadcast %shift_right_arithmetic3A_592 : i32 to vector<16xi32>
    %shift_right_arithmetic3A_594 = arith.shrsi %get3A_575, %shift_right_arithmetic3A_593 : vector<16xi32>
    %and3A_595 = arith.constant 7 : i32
    %and3A_596 = vector.broadcast %and3A_595 : i32 to vector<16xi32>
    %and3A_597 = arith.andi %shift_right_arithmetic3A_594, %and3A_596 : vector<16xi32>
    %shift_left3A_598 = arith.constant 7 : i32
    %shift_left3A_599 = vector.broadcast %shift_left3A_598 : i32 to vector<16xi32>
    %shift_left3A_600 = arith.shli %and3A_597, %shift_left3A_599 : vector<16xi32>
    %or3A_601 = arith.ori %or3A_591, %shift_left3A_600 : vector<16xi32>
    %and3A_602 = arith.constant 127 : i32
    %and3A_603 = vector.broadcast %and3A_602 : i32 to vector<16xi32>
    %and3A_604 = arith.andi %get3A_575, %and3A_603 : vector<16xi32>
    %or3A_605 = arith.ori %or3A_601, %and3A_604 : vector<16xi32>
    %mul3A_606 = arith.constant 131072 : i32
    %mul3A_607 = arith.muli %arg1, %mul3A_606 : i32
    %add3A_608 = arith.constant 0 : i32
    %add3A_609 = arith.addi %add3A_608, %mul3A_607 : i32
    %add3A_610 = vector.broadcast %add3A_609 : i32 to vector<16xi32>
    %add3A_611 = arith.addi %or3A_605, %add3A_610 : vector<16xi32>
    %swap3A_612 = arith.constant 0 : i32
    %swap3A_613 = arith.index_cast %swap3A_612 : i32 to index
    %swap3A_614 = arith.constant 48 : index
    %swap3A_615 = tpu.vector_load %arg10[%swap3A_613, %swap3A_614] {strides = array<i32>} : memref<4x128xi32, #tpu.memory_space<vmem>>, vector<16xi32>,
    tpu.vector_store %arg10[%swap3A_613, %swap3A_614], %add3A_611 {strides = array<i32>} : memref<4x128xi32, #tpu.memory_space<vmem>>, vector<16xi32>,
    %mul3A_616 = arith.constant 131072 : i32
    %mul3A_617 = arith.muli %arg1, %mul3A_616 : i32
    %add3A_618 = arith.constant 65536 : i32
    %add3A_619 = arith.addi %add3A_618, %mul3A_617 : i32
    %add3A_620 = vector.broadcast %add3A_619 : i32 to vector<16xi32>
    %add3A_621 = arith.addi %or3A_605, %add3A_620 : vector<16xi32>
    %swap3A_622 = arith.constant 0 : i32
    %swap3A_623 = arith.index_cast %swap3A_622 : i32 to index
    %swap3A_624 = arith.constant 112 : index
    %swap3A_625 = tpu.vector_load %arg10[%swap3A_623, %swap3A_624] {strides = array<i32>} : memref<4x128xi32, #tpu.memory_space<vmem>>, vector<16xi32>,
    tpu.vector_store %arg10[%swap3A_623, %swap3A_624], %add3A_621 {strides = array<i32>} : memref<4x128xi32, #tpu.memory_space<vmem>>, vector<16xi32>,
    %mul3A_626 = arith.constant 131072 : i32
    %mul3A_627 = arith.muli %arg1, %mul3A_626 : i32
    %add3A_628 = arith.constant 2097152 : i32
    %add3A_629 = arith.addi %add3A_628, %mul3A_627 : i32
    %add3A_630 = vector.broadcast %add3A_629 : i32 to vector<16xi32>
    %add3A_631 = arith.addi %or3A_605, %add3A_630 : vector<16xi32>
    %swap3A_632 = arith.constant 1 : i32
    %swap3A_633 = arith.index_cast %swap3A_632 : i32 to index
    %swap3A_634 = arith.constant 48 : index
    %swap3A_635 = tpu.vector_load %arg10[%swap3A_633, %swap3A_634] {strides = array<i32>} : memref<4x128xi32, #tpu.memory_space<vmem>>, vector<16xi32>,
    tpu.vector_store %arg10[%swap3A_633, %swap3A_634], %add3A_631 {strides = array<i32>} : memref<4x128xi32, #tpu.memory_space<vmem>>, vector<16xi32>,
    %mul3A_636 = arith.constant 131072 : i32
    %mul3A_637 = arith.muli %arg1, %mul3A_636 : i32
    %add3A_638 = arith.constant 2162688 : i32
    %add3A_639 = arith.addi %add3A_638, %mul3A_637 : i32
    %add3A_640 = vector.broadcast %add3A_639 : i32 to vector<16xi32>
    %add3A_641 = arith.addi %or3A_605, %add3A_640 : vector<16xi32>
    %swap3A_642 = arith.constant 1 : i32
    %swap3A_643 = arith.index_cast %swap3A_642 : i32 to index
    %swap3A_644 = arith.constant 112 : index
    %swap3A_645 = tpu.vector_load %arg10[%swap3A_643, %swap3A_644] {strides = array<i32>} : memref<4x128xi32, #tpu.memory_space<vmem>>, vector<16xi32>,
    tpu.vector_store %arg10[%swap3A_643, %swap3A_644], %add3A_641 {strides = array<i32>} : memref<4x128xi32, #tpu.memory_space<vmem>>, vector<16xi32>,
    %mul3A_646 = arith.constant 131072 : i32
    %mul3A_647 = arith.muli %arg1, %mul3A_646 : i32
    %add3A_648 = arith.constant 4194304 : i32
    %add3A_649 = arith.addi %add3A_648, %mul3A_647 : i32
    %add3A_650 = vector.broadcast %add3A_649 : i32 to vector<16xi32>
    %add3A_651 = arith.addi %or3A_605, %add3A_650 : vector<16xi32>
    %swap3A_652 = arith.constant 2 : i32
    %swap3A_653 = arith.index_cast %swap3A_652 : i32 to index
    %swap3A_654 = arith.constant 48 : index
    %swap3A_655 = tpu.vector_load %arg10[%swap3A_653, %swap3A_654] {strides = array<i32>} : memref<4x128xi32, #tpu.memory_space<vmem>>, vector<16xi32>,
    tpu.vector_store %arg10[%swap3A_653, %swap3A_654], %add3A_651 {strides = array<i32>} : memref<4x128xi32, #tpu.memory_space<vmem>>, vector<16xi32>,
    %mul3A_656 = arith.constant 131072 : i32
    %mul3A_657 = arith.muli %arg1, %mul3A_656 : i32
    %add3A_658 = arith.constant 4259840 : i32
    %add3A_659 = arith.addi %add3A_658, %mul3A_657 : i32
    %add3A_660 = vector.broadcast %add3A_659 : i32 to vector<16xi32>
    %add3A_661 = arith.addi %or3A_605, %add3A_660 : vector<16xi32>
    %swap3A_662 = arith.constant 2 : i32
    %swap3A_663 = arith.index_cast %swap3A_662 : i32 to index
    %swap3A_664 = arith.constant 112 : index
    %swap3A_665 = tpu.vector_load %arg10[%swap3A_663, %swap3A_664] {strides = array<i32>} : memref<4x128xi32, #tpu.memory_space<vmem>>, vector<16xi32>,
    tpu.vector_store %arg10[%swap3A_663, %swap3A_664], %add3A_661 {strides = array<i32>} : memref<4x128xi32, #tpu.memory_space<vmem>>, vector<16xi32>,
    %mul3A_666 = arith.constant 131072 : i32
    %mul3A_667 = arith.muli %arg1, %mul3A_666 : i32
    %add3A_668 = arith.constant 6291456 : i32
    %add3A_669 = arith.addi %add3A_668, %mul3A_667 : i32
    %add3A_670 = vector.broadcast %add3A_669 : i32 to vector<16xi32>
    %add3A_671 = arith.addi %or3A_605, %add3A_670 : vector<16xi32>
    %swap3A_672 = arith.constant 3 : i32
    %swap3A_673 = arith.index_cast %swap3A_672 : i32 to index
    %swap3A_674 = arith.constant 48 : index
    %swap3A_675 = tpu.vector_load %arg10[%swap3A_673, %swap3A_674] {strides = array<i32>} : memref<4x128xi32, #tpu.memory_space<vmem>>, vector<16xi32>,
    tpu.vector_store %arg10[%swap3A_673, %swap3A_674], %add3A_671 {strides = array<i32>} : memref<4x128xi32, #tpu.memory_space<vmem>>, vector<16xi32>,
    %mul3A_676 = arith.constant 131072 : i32
    %mul3A_677 = arith.muli %arg1, %mul3A_676 : i32
    %add3A_678 = arith.constant 6356992 : i32
    %add3A_679 = arith.addi %add3A_678, %mul3A_677 : i32
    %add3A_680 = vector.broadcast %add3A_679 : i32 to vector<16xi32>
    %add3A_681 = arith.addi %or3A_605, %add3A_680 : vector<16xi32>
    %swap3A_682 = arith.constant 3 : i32
    %swap3A_683 = arith.index_cast %swap3A_682 : i32 to index
    %swap3A_684 = arith.constant 112 : index
    %swap3A_685 = tpu.vector_load %arg10[%swap3A_683, %swap3A_684] {strides = array<i32>} : memref<4x128xi32, #tpu.memory_space<vmem>>, vector<16xi32>,
    tpu.vector_store %arg10[%swap3A_683, %swap3A_684], %add3A_681 {strides = array<i32>} : memref<4x128xi32, #tpu.memory_space<vmem>>, vector<16xi32>,
    %dma_start3A = arith.constant 0 : i32
    %dma_start3A_686 = arith.constant 0 : i32
    %dma_start3A_687 = arith.constant 0 : i32
    %dma_start3A_688 = tpu.memref_slice %arg11[%dma_start3A_686, %dma_start3A_687] : memref<4x128xf32, #tpu.memory_space<vmem>> -> memref<1x128xf32, #tpu.memory_space<vmem>>
    %dma_start3A_689 = tpu.memref_squeeze %dma_start3A_688 : memref<1x128xf32, #tpu.memory_space<vmem>> -> memref<128xf32, #tpu.memory_space<vmem>>
    %dma_start3A_690 = arith.constant 0 : i32
    %dma_start3A_691 = tpu.memref_slice %arg10[%dma_start3A, %dma_start3A_690] : memref<4x128xi32, #tpu.memory_space<vmem>> -> memref<1x128xi32, #tpu.memory_space<vmem>>
    %dma_start3A_692 = tpu.memref_squeeze %dma_start3A_691 : memref<1x128xi32, #tpu.memory_space<vmem>> -> memref<128xi32, #tpu.memory_space<vmem>>
    %dma_start3A_693 = arith.constant 0 : i32
    %dma_start3A_694 = tpu.memref_slice %arg3[%dma_start3A_693] : memref<8388608xf32, #tpu.memory_space<hbm>> -> memref<8388608xf32, #tpu.memory_space<hbm>>
    tpu.enqueue_indirect_dma source(%dma_start3A_694 : memref<8388608xf32, #tpu.memory_space<hbm>>) target(%dma_start3A_689 : memref<128xf32, #tpu.memory_space<vmem>>) offsets(%dma_start3A_692 : memref<128xi32, #tpu.memory_space<vmem>>) semaphore(%arg13 : memref<!tpu.dma_semaphore, #tpu.memory_space<semaphore_mem>>)
    %dma_start3A_695 = arith.constant 1 : i32
    %dma_start3A_696 = arith.constant 1 : i32
    %dma_start3A_697 = arith.constant 0 : i32
    %dma_start3A_698 = tpu.memref_slice %arg11[%dma_start3A_696, %dma_start3A_697] : memref<4x128xf32, #tpu.memory_space<vmem>> -> memref<1x128xf32, #tpu.memory_space<vmem>>
    %dma_start3A_699 = tpu.memref_squeeze %dma_start3A_698 : memref<1x128xf32, #tpu.memory_space<vmem>> -> memref<128xf32, #tpu.memory_space<vmem>>
    %dma_start3A_700 = arith.constant 0 : i32
    %dma_start3A_701 = tpu.memref_slice %arg10[%dma_start3A_695, %dma_start3A_700] : memref<4x128xi32, #tpu.memory_space<vmem>> -> memref<1x128xi32, #tpu.memory_space<vmem>>
    %dma_start3A_702 = tpu.memref_squeeze %dma_start3A_701 : memref<1x128xi32, #tpu.memory_space<vmem>> -> memref<128xi32, #tpu.memory_space<vmem>>
    %dma_start3A_703 = arith.constant 0 : i32
    %dma_start3A_704 = tpu.memref_slice %arg3[%dma_start3A_703] : memref<8388608xf32, #tpu.memory_space<hbm>> -> memref<8388608xf32, #tpu.memory_space<hbm>>
    tpu.enqueue_indirect_dma source(%dma_start3A_704 : memref<8388608xf32, #tpu.memory_space<hbm>>) target(%dma_start3A_699 : memref<128xf32, #tpu.memory_space<vmem>>) offsets(%dma_start3A_702 : memref<128xi32, #tpu.memory_space<vmem>>) semaphore(%arg13 : memref<!tpu.dma_semaphore, #tpu.memory_space<semaphore_mem>>)
    %dma_start3A_705 = arith.constant 2 : i32
    %dma_start3A_706 = arith.constant 2 : i32
    %dma_start3A_707 = arith.constant 0 : i32
    %dma_start3A_708 = tpu.memref_slice %arg11[%dma_start3A_706, %dma_start3A_707] : memref<4x128xf32, #tpu.memory_space<vmem>> -> memref<1x128xf32, #tpu.memory_space<vmem>>
    %dma_start3A_709 = tpu.memref_squeeze %dma_start3A_708 : memref<1x128xf32, #tpu.memory_space<vmem>> -> memref<128xf32, #tpu.memory_space<vmem>>
    %dma_start3A_710 = arith.constant 0 : i32
    %dma_start3A_711 = tpu.memref_slice %arg10[%dma_start3A_705, %dma_start3A_710] : memref<4x128xi32, #tpu.memory_space<vmem>> -> memref<1x128xi32, #tpu.memory_space<vmem>>
    %dma_start3A_712 = tpu.memref_squeeze %dma_start3A_711 : memref<1x128xi32, #tpu.memory_space<vmem>> -> memref<128xi32, #tpu.memory_space<vmem>>
    %dma_start3A_713 = arith.constant 0 : i32
    %dma_start3A_714 = tpu.memref_slice %arg3[%dma_start3A_713] : memref<8388608xf32, #tpu.memory_space<hbm>> -> memref<8388608xf32, #tpu.memory_space<hbm>>
    tpu.enqueue_indirect_dma source(%dma_start3A_714 : memref<8388608xf32, #tpu.memory_space<hbm>>) target(%dma_start3A_709 : memref<128xf32, #tpu.memory_space<vmem>>) offsets(%dma_start3A_712 : memref<128xi32, #tpu.memory_space<vmem>>) semaphore(%arg13 : memref<!tpu.dma_semaphore, #tpu.memory_space<semaphore_mem>>)
    %dma_start3A_715 = arith.constant 3 : i32
    %dma_start3A_716 = arith.constant 3 : i32
    %dma_start3A_717 = arith.constant 0 : i32
    %dma_start3A_718 = tpu.memref_slice %arg11[%dma_start3A_716, %dma_start3A_717] : memref<4x128xf32, #tpu.memory_space<vmem>> -> memref<1x128xf32, #tpu.memory_space<vmem>>
    %dma_start3A_719 = tpu.memref_squeeze %dma_start3A_718 : memref<1x128xf32, #tpu.memory_space<vmem>> -> memref<128xf32, #tpu.memory_space<vmem>>
    %dma_start3A_720 = arith.constant 0 : i32
    %dma_start3A_721 = tpu.memref_slice %arg10[%dma_start3A_715, %dma_start3A_720] : memref<4x128xi32, #tpu.memory_space<vmem>> -> memref<1x128xi32, #tpu.memory_space<vmem>>
    %dma_start3A_722 = tpu.memref_squeeze %dma_start3A_721 : memref<1x128xi32, #tpu.memory_space<vmem>> -> memref<128xi32, #tpu.memory_space<vmem>>
    %dma_start3A_723 = arith.constant 0 : i32
    %dma_start3A_724 = tpu.memref_slice %arg3[%dma_start3A_723] : memref<8388608xf32, #tpu.memory_space<hbm>> -> memref<8388608xf32, #tpu.memory_space<hbm>>
    tpu.enqueue_indirect_dma source(%dma_start3A_724 : memref<8388608xf32, #tpu.memory_space<hbm>>) target(%dma_start3A_719 : memref<128xf32, #tpu.memory_space<vmem>>) offsets(%dma_start3A_722 : memref<128xi32, #tpu.memory_space<vmem>>) semaphore(%arg13 : memref<!tpu.dma_semaphore, #tpu.memory_space<semaphore_mem>>)
    %dma_wait3A = arith.constant 0 : i32
    %dma_wait3A_725 = arith.constant 0 : i32
    %dma_wait3A_726 = arith.constant 0 : i32
    %dma_wait3A_727 = tpu.memref_slice %arg11[%dma_wait3A_725, %dma_wait3A_726] : memref<4x128xf32, #tpu.memory_space<vmem>> -> memref<1x128xf32, #tpu.memory_space<vmem>>
    %dma_wait3A_728 = tpu.memref_squeeze %dma_wait3A_727 : memref<1x128xf32, #tpu.memory_space<vmem>> -> memref<128xf32, #tpu.memory_space<vmem>>
    %dma_wait3A_729 = arith.constant 0 : i32
    %dma_wait3A_730 = tpu.memref_slice %arg10[%dma_wait3A, %dma_wait3A_729] : memref<4x128xi32, #tpu.memory_space<vmem>> -> memref<1x128xi32, #tpu.memory_space<vmem>>
    %dma_wait3A_731 = tpu.memref_squeeze %dma_wait3A_730 : memref<1x128xi32, #tpu.memory_space<vmem>> -> memref<128xi32, #tpu.memory_space<vmem>>
    %dma_wait3A_732 = arith.constant 0 : i32
    %dma_wait3A_733 = tpu.memref_slice %arg3[%dma_wait3A_732] : memref<8388608xf32, #tpu.memory_space<hbm>> -> memref<8388608xf32, #tpu.memory_space<hbm>>
    tpu.wait_indirect_dma semaphore(%arg13 : memref<!tpu.dma_semaphore, #tpu.memory_space<semaphore_mem>>) src(%dma_wait3A_733 : memref<8388608xf32, #tpu.memory_space<hbm>>) dst(%dma_wait3A_728 : memref<128xf32, #tpu.memory_space<vmem>>)
    %dma_wait3A_734 = arith.constant 1 : i32
    %dma_wait3A_735 = arith.constant 1 : i32
    %dma_wait3A_736 = arith.constant 0 : i32
    %dma_wait3A_737 = tpu.memref_slice %arg11[%dma_wait3A_735, %dma_wait3A_736] : memref<4x128xf32, #tpu.memory_space<vmem>> -> memref<1x128xf32, #tpu.memory_space<vmem>>
    %dma_wait3A_738 = tpu.memref_squeeze %dma_wait3A_737 : memref<1x128xf32, #tpu.memory_space<vmem>> -> memref<128xf32, #tpu.memory_space<vmem>>
    %dma_wait3A_739 = arith.constant 0 : i32
    %dma_wait3A_740 = tpu.memref_slice %arg10[%dma_wait3A_734, %dma_wait3A_739] : memref<4x128xi32, #tpu.memory_space<vmem>> -> memref<1x128xi32, #tpu.memory_space<vmem>>
    %dma_wait3A_741 = tpu.memref_squeeze %dma_wait3A_740 : memref<1x128xi32, #tpu.memory_space<vmem>> -> memref<128xi32, #tpu.memory_space<vmem>>
    %dma_wait3A_742 = arith.constant 0 : i32
    %dma_wait3A_743 = tpu.memref_slice %arg3[%dma_wait3A_742] : memref<8388608xf32, #tpu.memory_space<hbm>> -> memref<8388608xf32, #tpu.memory_space<hbm>>
    tpu.wait_indirect_dma semaphore(%arg13 : memref<!tpu.dma_semaphore, #tpu.memory_space<semaphore_mem>>) src(%dma_wait3A_743 : memref<8388608xf32, #tpu.memory_space<hbm>>) dst(%dma_wait3A_738 : memref<128xf32, #tpu.memory_space<vmem>>)
    %dma_wait3A_744 = arith.constant 2 : i32
    %dma_wait3A_745 = arith.constant 2 : i32
    %dma_wait3A_746 = arith.constant 0 : i32
    %dma_wait3A_747 = tpu.memref_slice %arg11[%dma_wait3A_745, %dma_wait3A_746] : memref<4x128xf32, #tpu.memory_space<vmem>> -> memref<1x128xf32, #tpu.memory_space<vmem>>
    %dma_wait3A_748 = tpu.memref_squeeze %dma_wait3A_747 : memref<1x128xf32, #tpu.memory_space<vmem>> -> memref<128xf32, #tpu.memory_space<vmem>>
    %dma_wait3A_749 = arith.constant 0 : i32
    %dma_wait3A_750 = tpu.memref_slice %arg10[%dma_wait3A_744, %dma_wait3A_749] : memref<4x128xi32, #tpu.memory_space<vmem>> -> memref<1x128xi32, #tpu.memory_space<vmem>>
    %dma_wait3A_751 = tpu.memref_squeeze %dma_wait3A_750 : memref<1x128xi32, #tpu.memory_space<vmem>> -> memref<128xi32, #tpu.memory_space<vmem>>
    %dma_wait3A_752 = arith.constant 0 : i32
    %dma_wait3A_753 = tpu.memref_slice %arg3[%dma_wait3A_752] : memref<8388608xf32, #tpu.memory_space<hbm>> -> memref<8388608xf32, #tpu.memory_space<hbm>>
    tpu.wait_indirect_dma semaphore(%arg13 : memref<!tpu.dma_semaphore, #tpu.memory_space<semaphore_mem>>) src(%dma_wait3A_753 : memref<8388608xf32, #tpu.memory_space<hbm>>) dst(%dma_wait3A_748 : memref<128xf32, #tpu.memory_space<vmem>>)
    %dma_wait3A_754 = arith.constant 3 : i32
    %dma_wait3A_755 = arith.constant 3 : i32
    %dma_wait3A_756 = arith.constant 0 : i32
    %dma_wait3A_757 = tpu.memref_slice %arg11[%dma_wait3A_755, %dma_wait3A_756] : memref<4x128xf32, #tpu.memory_space<vmem>> -> memref<1x128xf32, #tpu.memory_space<vmem>>
    %dma_wait3A_758 = tpu.memref_squeeze %dma_wait3A_757 : memref<1x128xf32, #tpu.memory_space<vmem>> -> memref<128xf32, #tpu.memory_space<vmem>>
    %dma_wait3A_759 = arith.constant 0 : i32
    %dma_wait3A_760 = tpu.memref_slice %arg10[%dma_wait3A_754, %dma_wait3A_759] : memref<4x128xi32, #tpu.memory_space<vmem>> -> memref<1x128xi32, #tpu.memory_space<vmem>>
    %dma_wait3A_761 = tpu.memref_squeeze %dma_wait3A_760 : memref<1x128xi32, #tpu.memory_space<vmem>> -> memref<128xi32, #tpu.memory_space<vmem>>
    %dma_wait3A_762 = arith.constant 0 : i32
    %dma_wait3A_763 = tpu.memref_slice %arg3[%dma_wait3A_762] : memref<8388608xf32, #tpu.memory_space<hbm>> -> memref<8388608xf32, #tpu.memory_space<hbm>>
    tpu.wait_indirect_dma semaphore(%arg13 : memref<!tpu.dma_semaphore, #tpu.memory_space<semaphore_mem>>) src(%dma_wait3A_763 : memref<8388608xf32, #tpu.memory_space<hbm>>) dst(%dma_wait3A_758 : memref<128xf32, #tpu.memory_space<vmem>>)
    %broadcast_in_dim3A = arith.constant 0.000000e+00 : f32
    %broadcast_in_dim3A_764 = vector.broadcast %broadcast_in_dim3A : f32 to vector<16xf32>
    %broadcast_in_dim3A_765 = arith.constant 0.000000e+00 : f32
    %broadcast_in_dim3A_766 = vector.broadcast %broadcast_in_dim3A_765 : f32 to vector<16xf32>
    %get3A_767 = arith.constant 0 : index
    %get3A_768 = tpu.vector_load %arg8[%get3A_767] {strides = array<i32>} : memref<64xi32, #tpu.memory_space<vmem>>, vector<16xi32>,
    %gather3A = tpu.vector_load_idx %arg9[%get3A_768] : memref<65536xi32, #tpu.memory_space<vmem>>[vector<16xi32>], vector<16xi32>,
    %add3A_769 = arith.constant 0 : i32
    %add3A_770 = arith.addi %mul3A_0, %add3A_769 : i32
    %add3A_771 = vector.broadcast %add3A_770 : i32 to vector<16xi32>
    %add3A_772 = arith.addi %add3A_771, %iota3A : vector<16xi32>
    %eq3A = arith.cmpi eq, %gather3A, %add3A_772 : vector<16xi32>
    %get3A_773 = arith.constant 0 : index
    %get3A_774 = tpu.vector_load %arg7[%get3A_773] {strides = array<i32>} : memref<64xi32, #tpu.memory_space<vmem>>, vector<16xi32>,
    %and3A_775 = arith.constant 255 : i32
    %and3A_776 = vector.broadcast %and3A_775 : i32 to vector<16xi32>
    %and3A_777 = arith.andi %get3A_774, %and3A_776 : vector<16xi32>
    %shift_right_arithmetic3A_778 = arith.constant 8 : i32
    %shift_right_arithmetic3A_779 = vector.broadcast %shift_right_arithmetic3A_778 : i32 to vector<16xi32>
    %shift_right_arithmetic3A_780 = arith.shrsi %get3A_774, %shift_right_arithmetic3A_779 : vector<16xi32>
    %and3A_781 = arith.constant 255 : i32
    %and3A_782 = vector.broadcast %and3A_781 : i32 to vector<16xi32>
    %and3A_783 = arith.andi %shift_right_arithmetic3A_780, %and3A_782 : vector<16xi32>
    %shift_right_arithmetic3A_784 = arith.constant 16 : i32
    %shift_right_arithmetic3A_785 = vector.broadcast %shift_right_arithmetic3A_784 : i32 to vector<16xi32>
    %shift_right_arithmetic3A_786 = arith.shrsi %get3A_774, %shift_right_arithmetic3A_785 : vector<16xi32>
    %and3A_787 = arith.constant 255 : i32
    %and3A_788 = vector.broadcast %and3A_787 : i32 to vector<16xi32>
    %and3A_789 = arith.andi %shift_right_arithmetic3A_786, %and3A_788 : vector<16xi32>
    %shift_right_arithmetic3A_790 = arith.constant 24 : i32
    %shift_right_arithmetic3A_791 = vector.broadcast %shift_right_arithmetic3A_790 : i32 to vector<16xi32>
    %shift_right_arithmetic3A_792 = arith.shrsi %get3A_774, %shift_right_arithmetic3A_791 : vector<16xi32>
    %and3A_793 = arith.constant 255 : i32
    %and3A_794 = vector.broadcast %and3A_793 : i32 to vector<16xi32>
    %and3A_795 = arith.andi %shift_right_arithmetic3A_792, %and3A_794 : vector<16xi32>
    %ne3A = arith.cmpi ne, %and3A_789, %and3A_777 : vector<16xi32>
    %ne3A_796 = arith.cmpi ne, %and3A_795, %and3A_783 : vector<16xi32>
    %or3A_797 = arith.ori %ne3A, %ne3A_796 : vector<16xi1>
    %and3A_798 = arith.andi %eq3A, %or3A_797 : vector<16xi1>
    %jit3A = arith.constant 1.000000e+00 : f32
    %jit3A_799 = arith.constant 0.000000e+00 : f32
    %broadcast_in_dim3A_800 = vector.broadcast %jit3A : f32 to vector<16xf32>
    %broadcast_in_dim3A_801 = vector.broadcast %jit3A_799 : f32 to vector<16xf32>
    %select_n3A = arith.select %and3A_798, %broadcast_in_dim3A_800, %broadcast_in_dim3A_801 : vector<16xi1>, vector<16xf32>
    %add3A_802 = arith.addf %broadcast_in_dim3A_766, %select_n3A : vector<16xf32>
    %sub3A = arith.subi %and3A_789, %and3A_777 : vector<16xi32>
    %convert_element_type3A = arith.sitofp %sub3A : vector<16xi32> to vector<16xf32>
    %sub3A_803 = arith.subi %and3A_795, %and3A_783 : vector<16xi32>
    %convert_element_type3A_804 = arith.sitofp %sub3A_803 : vector<16xi32> to vector<16xf32>
    %get3A_805 = arith.constant 0 : i32
    %get3A_806 = arith.index_cast %get3A_805 : i32 to index
    %get3A_807 = arith.constant 0 : index
    %get3A_808 = tpu.vector_load %arg11[%get3A_806, %get3A_807] {strides = array<i32>} : memref<4x128xf32, #tpu.memory_space<vmem>>, vector<16xf32>,
    %sub3A_809 = arith.subf %get3A_808, %convert_element_type3A : vector<16xf32>
    %get3A_810 = arith.constant 0 : i32
    %get3A_811 = arith.index_cast %get3A_810 : i32 to index
    %get3A_812 = arith.constant 64 : index
    %get3A_813 = tpu.vector_load %arg11[%get3A_811, %get3A_812] {strides = array<i32>} : memref<4x128xf32, #tpu.memory_space<vmem>>, vector<16xf32>,
    %sub3A_814 = arith.subf %get3A_813, %convert_element_type3A_804 : vector<16xf32>
    %mul3A_815 = arith.constant 5.120000e-01 : f32
    %mul3A_816 = vector.broadcast %mul3A_815 : f32 to vector<16xf32>
    %mul3A_817 = arith.mulf %mul3A_816, %select_n3A : vector<16xf32>
    %mul3A_818 = arith.mulf %sub3A_809, %sub3A_809 : vector<16xf32>
    %mul3A_819 = arith.mulf %sub3A_814, %sub3A_814 : vector<16xf32>
    %add3A_820 = arith.addf %mul3A_818, %mul3A_819 : vector<16xf32>
    %mul3A_821 = arith.mulf %mul3A_817, %add3A_820 : vector<16xf32>
    %add3A_822 = arith.addf %broadcast_in_dim3A_764, %mul3A_821 : vector<16xf32>
    %get3A_823 = arith.constant 1 : i32
    %get3A_824 = arith.index_cast %get3A_823 : i32 to index
    %get3A_825 = arith.constant 0 : index
    %get3A_826 = tpu.vector_load %arg11[%get3A_824, %get3A_825] {strides = array<i32>} : memref<4x128xf32, #tpu.memory_space<vmem>>, vector<16xf32>,
    %sub3A_827 = arith.subf %get3A_826, %convert_element_type3A : vector<16xf32>
    %get3A_828 = arith.constant 1 : i32
    %get3A_829 = arith.index_cast %get3A_828 : i32 to index
    %get3A_830 = arith.constant 64 : index
    %get3A_831 = tpu.vector_load %arg11[%get3A_829, %get3A_830] {strides = array<i32>} : memref<4x128xf32, #tpu.memory_space<vmem>>, vector<16xf32>,
    %sub3A_832 = arith.subf %get3A_831, %convert_element_type3A_804 : vector<16xf32>
    %mul3A_833 = arith.constant 6.400000e-01 : f32
    %mul3A_834 = vector.broadcast %mul3A_833 : f32 to vector<16xf32>
    %mul3A_835 = arith.mulf %mul3A_834, %select_n3A : vector<16xf32>
    %mul3A_836 = arith.mulf %sub3A_827, %sub3A_827 : vector<16xf32>
    %mul3A_837 = arith.mulf %sub3A_832, %sub3A_832 : vector<16xf32>
    %add3A_838 = arith.addf %mul3A_836, %mul3A_837 : vector<16xf32>
    %mul3A_839 = arith.mulf %mul3A_835, %add3A_838 : vector<16xf32>
    %add3A_840 = arith.addf %add3A_822, %mul3A_839 : vector<16xf32>
    %get3A_841 = arith.constant 2 : i32
    %get3A_842 = arith.index_cast %get3A_841 : i32 to index
    %get3A_843 = arith.constant 0 : index
    %get3A_844 = tpu.vector_load %arg11[%get3A_842, %get3A_843] {strides = array<i32>} : memref<4x128xf32, #tpu.memory_space<vmem>>, vector<16xf32>,
    %sub3A_845 = arith.subf %get3A_844, %convert_element_type3A : vector<16xf32>
    %get3A_846 = arith.constant 2 : i32
    %get3A_847 = arith.index_cast %get3A_846 : i32 to index
    %get3A_848 = arith.constant 64 : index
    %get3A_849 = tpu.vector_load %arg11[%get3A_847, %get3A_848] {strides = array<i32>} : memref<4x128xf32, #tpu.memory_space<vmem>>, vector<16xf32>,
    %sub3A_850 = arith.subf %get3A_849, %convert_element_type3A_804 : vector<16xf32>
    %mul3A_851 = arith.constant 8.000000e-01 : f32
    %mul3A_852 = vector.broadcast %mul3A_851 : f32 to vector<16xf32>
    %mul3A_853 = arith.mulf %mul3A_852, %select_n3A : vector<16xf32>
    %mul3A_854 = arith.mulf %sub3A_845, %sub3A_845 : vector<16xf32>
    %mul3A_855 = arith.mulf %sub3A_850, %sub3A_850 : vector<16xf32>
    %add3A_856 = arith.addf %mul3A_854, %mul3A_855 : vector<16xf32>
    %mul3A_857 = arith.mulf %mul3A_853, %add3A_856 : vector<16xf32>
    %add3A_858 = arith.addf %add3A_840, %mul3A_857 : vector<16xf32>
    %get3A_859 = arith.constant 3 : i32
    %get3A_860 = arith.index_cast %get3A_859 : i32 to index
    %get3A_861 = arith.constant 0 : index
    %get3A_862 = tpu.vector_load %arg11[%get3A_860, %get3A_861] {strides = array<i32>} : memref<4x128xf32, #tpu.memory_space<vmem>>, vector<16xf32>,
    %sub3A_863 = arith.subf %get3A_862, %convert_element_type3A : vector<16xf32>
    %get3A_864 = arith.constant 3 : i32
    %get3A_865 = arith.index_cast %get3A_864 : i32 to index
    %get3A_866 = arith.constant 64 : index
    %get3A_867 = tpu.vector_load %arg11[%get3A_865, %get3A_866] {strides = array<i32>} : memref<4x128xf32, #tpu.memory_space<vmem>>, vector<16xf32>,
    %sub3A_868 = arith.subf %get3A_867, %convert_element_type3A_804 : vector<16xf32>
    %mul3A_869 = arith.constant 1.000000e+00 : f32
    %mul3A_870 = vector.broadcast %mul3A_869 : f32 to vector<16xf32>
    %mul3A_871 = arith.mulf %mul3A_870, %select_n3A : vector<16xf32>
    %mul3A_872 = arith.mulf %sub3A_863, %sub3A_863 : vector<16xf32>
    %mul3A_873 = arith.mulf %sub3A_868, %sub3A_868 : vector<16xf32>
    %add3A_874 = arith.addf %mul3A_872, %mul3A_873 : vector<16xf32>
    %mul3A_875 = arith.mulf %mul3A_871, %add3A_874 : vector<16xf32>
    %add3A_876 = arith.addf %add3A_858, %mul3A_875 : vector<16xf32>
    %get3A_877 = arith.constant 16 : index
    %get3A_878 = tpu.vector_load %arg8[%get3A_877] {strides = array<i32>} : memref<64xi32, #tpu.memory_space<vmem>>, vector<16xi32>,
    %gather3A_879 = tpu.vector_load_idx %arg9[%get3A_878] : memref<65536xi32, #tpu.memory_space<vmem>>[vector<16xi32>], vector<16xi32>,
    %add3A_880 = arith.constant 16 : i32
    %add3A_881 = arith.addi %mul3A_0, %add3A_880 : i32
    %add3A_882 = vector.broadcast %add3A_881 : i32 to vector<16xi32>
    %add3A_883 = arith.addi %add3A_882, %iota3A : vector<16xi32>
    %eq3A_884 = arith.cmpi eq, %gather3A_879, %add3A_883 : vector<16xi32>
    %get3A_885 = arith.constant 16 : index
    %get3A_886 = tpu.vector_load %arg7[%get3A_885] {strides = array<i32>} : memref<64xi32, #tpu.memory_space<vmem>>, vector<16xi32>,
    %and3A_887 = arith.constant 255 : i32
    %and3A_888 = vector.broadcast %and3A_887 : i32 to vector<16xi32>
    %and3A_889 = arith.andi %get3A_886, %and3A_888 : vector<16xi32>
    %shift_right_arithmetic3A_890 = arith.constant 8 : i32
    %shift_right_arithmetic3A_891 = vector.broadcast %shift_right_arithmetic3A_890 : i32 to vector<16xi32>
    %shift_right_arithmetic3A_892 = arith.shrsi %get3A_886, %shift_right_arithmetic3A_891 : vector<16xi32>
    %and3A_893 = arith.constant 255 : i32
    %and3A_894 = vector.broadcast %and3A_893 : i32 to vector<16xi32>
    %and3A_895 = arith.andi %shift_right_arithmetic3A_892, %and3A_894 : vector<16xi32>
    %shift_right_arithmetic3A_896 = arith.constant 16 : i32
    %shift_right_arithmetic3A_897 = vector.broadcast %shift_right_arithmetic3A_896 : i32 to vector<16xi32>
    %shift_right_arithmetic3A_898 = arith.shrsi %get3A_886, %shift_right_arithmetic3A_897 : vector<16xi32>
    %and3A_899 = arith.constant 255 : i32
    %and3A_900 = vector.broadcast %and3A_899 : i32 to vector<16xi32>
    %and3A_901 = arith.andi %shift_right_arithmetic3A_898, %and3A_900 : vector<16xi32>
    %shift_right_arithmetic3A_902 = arith.constant 24 : i32
    %shift_right_arithmetic3A_903 = vector.broadcast %shift_right_arithmetic3A_902 : i32 to vector<16xi32>
    %shift_right_arithmetic3A_904 = arith.shrsi %get3A_886, %shift_right_arithmetic3A_903 : vector<16xi32>
    %and3A_905 = arith.constant 255 : i32
    %and3A_906 = vector.broadcast %and3A_905 : i32 to vector<16xi32>
    %and3A_907 = arith.andi %shift_right_arithmetic3A_904, %and3A_906 : vector<16xi32>
    %ne3A_908 = arith.cmpi ne, %and3A_901, %and3A_889 : vector<16xi32>
    %ne3A_909 = arith.cmpi ne, %and3A_907, %and3A_895 : vector<16xi32>
    %or3A_910 = arith.ori %ne3A_908, %ne3A_909 : vector<16xi1>
    %and3A_911 = arith.andi %eq3A_884, %or3A_910 : vector<16xi1>
    %jit3A_912 = arith.constant 1.000000e+00 : f32
    %jit3A_913 = arith.constant 0.000000e+00 : f32
    %broadcast_in_dim3A_914 = vector.broadcast %jit3A_912 : f32 to vector<16xf32>
    %broadcast_in_dim3A_915 = vector.broadcast %jit3A_913 : f32 to vector<16xf32>
    %select_n3A_916 = arith.select %and3A_911, %broadcast_in_dim3A_914, %broadcast_in_dim3A_915 : vector<16xi1>, vector<16xf32>
    %add3A_917 = arith.addf %add3A_802, %select_n3A_916 : vector<16xf32>
    %sub3A_918 = arith.subi %and3A_901, %and3A_889 : vector<16xi32>
    %convert_element_type3A_919 = arith.sitofp %sub3A_918 : vector<16xi32> to vector<16xf32>
    %sub3A_920 = arith.subi %and3A_907, %and3A_895 : vector<16xi32>
    %convert_element_type3A_921 = arith.sitofp %sub3A_920 : vector<16xi32> to vector<16xf32>
    %get3A_922 = arith.constant 0 : i32
    %get3A_923 = arith.index_cast %get3A_922 : i32 to index
    %get3A_924 = arith.constant 16 : index
    %get3A_925 = tpu.vector_load %arg11[%get3A_923, %get3A_924] {strides = array<i32>} : memref<4x128xf32, #tpu.memory_space<vmem>>, vector<16xf32>,
    %sub3A_926 = arith.subf %get3A_925, %convert_element_type3A_919 : vector<16xf32>
    %get3A_927 = arith.constant 0 : i32
    %get3A_928 = arith.index_cast %get3A_927 : i32 to index
    %get3A_929 = arith.constant 80 : index
    %get3A_930 = tpu.vector_load %arg11[%get3A_928, %get3A_929] {strides = array<i32>} : memref<4x128xf32, #tpu.memory_space<vmem>>, vector<16xf32>,
    %sub3A_931 = arith.subf %get3A_930, %convert_element_type3A_921 : vector<16xf32>
    %mul3A_932 = arith.constant 5.120000e-01 : f32
    %mul3A_933 = vector.broadcast %mul3A_932 : f32 to vector<16xf32>
    %mul3A_934 = arith.mulf %mul3A_933, %select_n3A_916 : vector<16xf32>
    %mul3A_935 = arith.mulf %sub3A_926, %sub3A_926 : vector<16xf32>
    %mul3A_936 = arith.mulf %sub3A_931, %sub3A_931 : vector<16xf32>
    %add3A_937 = arith.addf %mul3A_935, %mul3A_936 : vector<16xf32>
    %mul3A_938 = arith.mulf %mul3A_934, %add3A_937 : vector<16xf32>
    %add3A_939 = arith.addf %add3A_876, %mul3A_938 : vector<16xf32>
    %get3A_940 = arith.constant 1 : i32
    %get3A_941 = arith.index_cast %get3A_940 : i32 to index
    %get3A_942 = arith.constant 16 : index
    %get3A_943 = tpu.vector_load %arg11[%get3A_941, %get3A_942] {strides = array<i32>} : memref<4x128xf32, #tpu.memory_space<vmem>>, vector<16xf32>,
    %sub3A_944 = arith.subf %get3A_943, %convert_element_type3A_919 : vector<16xf32>
    %get3A_945 = arith.constant 1 : i32
    %get3A_946 = arith.index_cast %get3A_945 : i32 to index
    %get3A_947 = arith.constant 80 : index
    %get3A_948 = tpu.vector_load %arg11[%get3A_946, %get3A_947] {strides = array<i32>} : memref<4x128xf32, #tpu.memory_space<vmem>>, vector<16xf32>,
    %sub3A_949 = arith.subf %get3A_948, %convert_element_type3A_921 : vector<16xf32>
    %mul3A_950 = arith.constant 6.400000e-01 : f32
    %mul3A_951 = vector.broadcast %mul3A_950 : f32 to vector<16xf32>
    %mul3A_952 = arith.mulf %mul3A_951, %select_n3A_916 : vector<16xf32>
    %mul3A_953 = arith.mulf %sub3A_944, %sub3A_944 : vector<16xf32>
    %mul3A_954 = arith.mulf %sub3A_949, %sub3A_949 : vector<16xf32>
    %add3A_955 = arith.addf %mul3A_953, %mul3A_954 : vector<16xf32>
    %mul3A_956 = arith.mulf %mul3A_952, %add3A_955 : vector<16xf32>
    %add3A_957 = arith.addf %add3A_939, %mul3A_956 : vector<16xf32>
    %get3A_958 = arith.constant 2 : i32
    %get3A_959 = arith.index_cast %get3A_958 : i32 to index
    %get3A_960 = arith.constant 16 : index
    %get3A_961 = tpu.vector_load %arg11[%get3A_959, %get3A_960] {strides = array<i32>} : memref<4x128xf32, #tpu.memory_space<vmem>>, vector<16xf32>,
    %sub3A_962 = arith.subf %get3A_961, %convert_element_type3A_919 : vector<16xf32>
    %get3A_963 = arith.constant 2 : i32
    %get3A_964 = arith.index_cast %get3A_963 : i32 to index
    %get3A_965 = arith.constant 80 : index
    %get3A_966 = tpu.vector_load %arg11[%get3A_964, %get3A_965] {strides = array<i32>} : memref<4x128xf32, #tpu.memory_space<vmem>>, vector<16xf32>,
    %sub3A_967 = arith.subf %get3A_966, %convert_element_type3A_921 : vector<16xf32>
    %mul3A_968 = arith.constant 8.000000e-01 : f32
    %mul3A_969 = vector.broadcast %mul3A_968 : f32 to vector<16xf32>
    %mul3A_970 = arith.mulf %mul3A_969, %select_n3A_916 : vector<16xf32>
    %mul3A_971 = arith.mulf %sub3A_962, %sub3A_962 : vector<16xf32>
    %mul3A_972 = arith.mulf %sub3A_967, %sub3A_967 : vector<16xf32>
    %add3A_973 = arith.addf %mul3A_971, %mul3A_972 : vector<16xf32>
    %mul3A_974 = arith.mulf %mul3A_970, %add3A_973 : vector<16xf32>
    %add3A_975 = arith.addf %add3A_957, %mul3A_974 : vector<16xf32>
    %get3A_976 = arith.constant 3 : i32
    %get3A_977 = arith.index_cast %get3A_976 : i32 to index
    %get3A_978 = arith.constant 16 : index
    %get3A_979 = tpu.vector_load %arg11[%get3A_977, %get3A_978] {strides = array<i32>} : memref<4x128xf32, #tpu.memory_space<vmem>>, vector<16xf32>,
    %sub3A_980 = arith.subf %get3A_979, %convert_element_type3A_919 : vector<16xf32>
    %get3A_981 = arith.constant 3 : i32
    %get3A_982 = arith.index_cast %get3A_981 : i32 to index
    %get3A_983 = arith.constant 80 : index
    %get3A_984 = tpu.vector_load %arg11[%get3A_982, %get3A_983] {strides = array<i32>} : memref<4x128xf32, #tpu.memory_space<vmem>>, vector<16xf32>,
    %sub3A_985 = arith.subf %get3A_984, %convert_element_type3A_921 : vector<16xf32>
    %mul3A_986 = arith.constant 1.000000e+00 : f32
    %mul3A_987 = vector.broadcast %mul3A_986 : f32 to vector<16xf32>
    %mul3A_988 = arith.mulf %mul3A_987, %select_n3A_916 : vector<16xf32>
    %mul3A_989 = arith.mulf %sub3A_980, %sub3A_980 : vector<16xf32>
    %mul3A_990 = arith.mulf %sub3A_985, %sub3A_985 : vector<16xf32>
    %add3A_991 = arith.addf %mul3A_989, %mul3A_990 : vector<16xf32>
    %mul3A_992 = arith.mulf %mul3A_988, %add3A_991 : vector<16xf32>
    %add3A_993 = arith.addf %add3A_975, %mul3A_992 : vector<16xf32>
    %get3A_994 = arith.constant 32 : index
    %get3A_995 = tpu.vector_load %arg8[%get3A_994] {strides = array<i32>} : memref<64xi32, #tpu.memory_space<vmem>>, vector<16xi32>,
    %gather3A_996 = tpu.vector_load_idx %arg9[%get3A_995] : memref<65536xi32, #tpu.memory_space<vmem>>[vector<16xi32>], vector<16xi32>,
    %add3A_997 = arith.constant 32 : i32
    %add3A_998 = arith.addi %mul3A_0, %add3A_997 : i32
    %add3A_999 = vector.broadcast %add3A_998 : i32 to vector<16xi32>
    %add3A_1000 = arith.addi %add3A_999, %iota3A : vector<16xi32>
    %eq3A_1001 = arith.cmpi eq, %gather3A_996, %add3A_1000 : vector<16xi32>
    %get3A_1002 = arith.constant 32 : index
    %get3A_1003 = tpu.vector_load %arg7[%get3A_1002] {strides = array<i32>} : memref<64xi32, #tpu.memory_space<vmem>>, vector<16xi32>,
    %and3A_1004 = arith.constant 255 : i32
    %and3A_1005 = vector.broadcast %and3A_1004 : i32 to vector<16xi32>
    %and3A_1006 = arith.andi %get3A_1003, %and3A_1005 : vector<16xi32>
    %shift_right_arithmetic3A_1007 = arith.constant 8 : i32
    %shift_right_arithmetic3A_1008 = vector.broadcast %shift_right_arithmetic3A_1007 : i32 to vector<16xi32>
    %shift_right_arithmetic3A_1009 = arith.shrsi %get3A_1003, %shift_right_arithmetic3A_1008 : vector<16xi32>
    %and3A_1010 = arith.constant 255 : i32
    %and3A_1011 = vector.broadcast %and3A_1010 : i32 to vector<16xi32>
    %and3A_1012 = arith.andi %shift_right_arithmetic3A_1009, %and3A_1011 : vector<16xi32>
    %shift_right_arithmetic3A_1013 = arith.constant 16 : i32
    %shift_right_arithmetic3A_1014 = vector.broadcast %shift_right_arithmetic3A_1013 : i32 to vector<16xi32>
    %shift_right_arithmetic3A_1015 = arith.shrsi %get3A_1003, %shift_right_arithmetic3A_1014 : vector<16xi32>
    %and3A_1016 = arith.constant 255 : i32
    %and3A_1017 = vector.broadcast %and3A_1016 : i32 to vector<16xi32>
    %and3A_1018 = arith.andi %shift_right_arithmetic3A_1015, %and3A_1017 : vector<16xi32>
    %shift_right_arithmetic3A_1019 = arith.constant 24 : i32
    %shift_right_arithmetic3A_1020 = vector.broadcast %shift_right_arithmetic3A_1019 : i32 to vector<16xi32>
    %shift_right_arithmetic3A_1021 = arith.shrsi %get3A_1003, %shift_right_arithmetic3A_1020 : vector<16xi32>
    %and3A_1022 = arith.constant 255 : i32
    %and3A_1023 = vector.broadcast %and3A_1022 : i32 to vector<16xi32>
    %and3A_1024 = arith.andi %shift_right_arithmetic3A_1021, %and3A_1023 : vector<16xi32>
    %ne3A_1025 = arith.cmpi ne, %and3A_1018, %and3A_1006 : vector<16xi32>
    %ne3A_1026 = arith.cmpi ne, %and3A_1024, %and3A_1012 : vector<16xi32>
    %or3A_1027 = arith.ori %ne3A_1025, %ne3A_1026 : vector<16xi1>
    %and3A_1028 = arith.andi %eq3A_1001, %or3A_1027 : vector<16xi1>
    %jit3A_1029 = arith.constant 1.000000e+00 : f32
    %jit3A_1030 = arith.constant 0.000000e+00 : f32
    %broadcast_in_dim3A_1031 = vector.broadcast %jit3A_1029 : f32 to vector<16xf32>
    %broadcast_in_dim3A_1032 = vector.broadcast %jit3A_1030 : f32 to vector<16xf32>
    %select_n3A_1033 = arith.select %and3A_1028, %broadcast_in_dim3A_1031, %broadcast_in_dim3A_1032 : vector<16xi1>, vector<16xf32>
    %add3A_1034 = arith.addf %add3A_917, %select_n3A_1033 : vector<16xf32>
    %sub3A_1035 = arith.subi %and3A_1018, %and3A_1006 : vector<16xi32>
    %convert_element_type3A_1036 = arith.sitofp %sub3A_1035 : vector<16xi32> to vector<16xf32>
    %sub3A_1037 = arith.subi %and3A_1024, %and3A_1012 : vector<16xi32>
    %convert_element_type3A_1038 = arith.sitofp %sub3A_1037 : vector<16xi32> to vector<16xf32>
    %get3A_1039 = arith.constant 0 : i32
    %get3A_1040 = arith.index_cast %get3A_1039 : i32 to index
    %get3A_1041 = arith.constant 32 : index
    %get3A_1042 = tpu.vector_load %arg11[%get3A_1040, %get3A_1041] {strides = array<i32>} : memref<4x128xf32, #tpu.memory_space<vmem>>, vector<16xf32>,
    %sub3A_1043 = arith.subf %get3A_1042, %convert_element_type3A_1036 : vector<16xf32>
    %get3A_1044 = arith.constant 0 : i32
    %get3A_1045 = arith.index_cast %get3A_1044 : i32 to index
    %get3A_1046 = arith.constant 96 : index
    %get3A_1047 = tpu.vector_load %arg11[%get3A_1045, %get3A_1046] {strides = array<i32>} : memref<4x128xf32, #tpu.memory_space<vmem>>, vector<16xf32>,
    %sub3A_1048 = arith.subf %get3A_1047, %convert_element_type3A_1038 : vector<16xf32>
    %mul3A_1049 = arith.constant 5.120000e-01 : f32
    %mul3A_1050 = vector.broadcast %mul3A_1049 : f32 to vector<16xf32>
    %mul3A_1051 = arith.mulf %mul3A_1050, %select_n3A_1033 : vector<16xf32>
    %mul3A_1052 = arith.mulf %sub3A_1043, %sub3A_1043 : vector<16xf32>
    %mul3A_1053 = arith.mulf %sub3A_1048, %sub3A_1048 : vector<16xf32>
    %add3A_1054 = arith.addf %mul3A_1052, %mul3A_1053 : vector<16xf32>
    %mul3A_1055 = arith.mulf %mul3A_1051, %add3A_1054 : vector<16xf32>
    %add3A_1056 = arith.addf %add3A_993, %mul3A_1055 : vector<16xf32>
    %get3A_1057 = arith.constant 1 : i32
    %get3A_1058 = arith.index_cast %get3A_1057 : i32 to index
    %get3A_1059 = arith.constant 32 : index
    %get3A_1060 = tpu.vector_load %arg11[%get3A_1058, %get3A_1059] {strides = array<i32>} : memref<4x128xf32, #tpu.memory_space<vmem>>, vector<16xf32>,
    %sub3A_1061 = arith.subf %get3A_1060, %convert_element_type3A_1036 : vector<16xf32>
    %get3A_1062 = arith.constant 1 : i32
    %get3A_1063 = arith.index_cast %get3A_1062 : i32 to index
    %get3A_1064 = arith.constant 96 : index
    %get3A_1065 = tpu.vector_load %arg11[%get3A_1063, %get3A_1064] {strides = array<i32>} : memref<4x128xf32, #tpu.memory_space<vmem>>, vector<16xf32>,
    %sub3A_1066 = arith.subf %get3A_1065, %convert_element_type3A_1038 : vector<16xf32>
    %mul3A_1067 = arith.constant 6.400000e-01 : f32
    %mul3A_1068 = vector.broadcast %mul3A_1067 : f32 to vector<16xf32>
    %mul3A_1069 = arith.mulf %mul3A_1068, %select_n3A_1033 : vector<16xf32>
    %mul3A_1070 = arith.mulf %sub3A_1061, %sub3A_1061 : vector<16xf32>
    %mul3A_1071 = arith.mulf %sub3A_1066, %sub3A_1066 : vector<16xf32>
    %add3A_1072 = arith.addf %mul3A_1070, %mul3A_1071 : vector<16xf32>
    %mul3A_1073 = arith.mulf %mul3A_1069, %add3A_1072 : vector<16xf32>
    %add3A_1074 = arith.addf %add3A_1056, %mul3A_1073 : vector<16xf32>
    %get3A_1075 = arith.constant 2 : i32
    %get3A_1076 = arith.index_cast %get3A_1075 : i32 to index
    %get3A_1077 = arith.constant 32 : index
    %get3A_1078 = tpu.vector_load %arg11[%get3A_1076, %get3A_1077] {strides = array<i32>} : memref<4x128xf32, #tpu.memory_space<vmem>>, vector<16xf32>,
    %sub3A_1079 = arith.subf %get3A_1078, %convert_element_type3A_1036 : vector<16xf32>
    %get3A_1080 = arith.constant 2 : i32
    %get3A_1081 = arith.index_cast %get3A_1080 : i32 to index
    %get3A_1082 = arith.constant 96 : index
    %get3A_1083 = tpu.vector_load %arg11[%get3A_1081, %get3A_1082] {strides = array<i32>} : memref<4x128xf32, #tpu.memory_space<vmem>>, vector<16xf32>,
    %sub3A_1084 = arith.subf %get3A_1083, %convert_element_type3A_1038 : vector<16xf32>
    %mul3A_1085 = arith.constant 8.000000e-01 : f32
    %mul3A_1086 = vector.broadcast %mul3A_1085 : f32 to vector<16xf32>
    %mul3A_1087 = arith.mulf %mul3A_1086, %select_n3A_1033 : vector<16xf32>
    %mul3A_1088 = arith.mulf %sub3A_1079, %sub3A_1079 : vector<16xf32>
    %mul3A_1089 = arith.mulf %sub3A_1084, %sub3A_1084 : vector<16xf32>
    %add3A_1090 = arith.addf %mul3A_1088, %mul3A_1089 : vector<16xf32>
    %mul3A_1091 = arith.mulf %mul3A_1087, %add3A_1090 : vector<16xf32>
    %add3A_1092 = arith.addf %add3A_1074, %mul3A_1091 : vector<16xf32>
    %get3A_1093 = arith.constant 3 : i32
    %get3A_1094 = arith.index_cast %get3A_1093 : i32 to index
    %get3A_1095 = arith.constant 32 : index
    %get3A_1096 = tpu.vector_load %arg11[%get3A_1094, %get3A_1095] {strides = array<i32>} : memref<4x128xf32, #tpu.memory_space<vmem>>, vector<16xf32>,
    %sub3A_1097 = arith.subf %get3A_1096, %convert_element_type3A_1036 : vector<16xf32>
    %get3A_1098 = arith.constant 3 : i32
    %get3A_1099 = arith.index_cast %get3A_1098 : i32 to index
    %get3A_1100 = arith.constant 96 : index
    %get3A_1101 = tpu.vector_load %arg11[%get3A_1099, %get3A_1100] {strides = array<i32>} : memref<4x128xf32, #tpu.memory_space<vmem>>, vector<16xf32>,
    %sub3A_1102 = arith.subf %get3A_1101, %convert_element_type3A_1038 : vector<16xf32>
    %mul3A_1103 = arith.constant 1.000000e+00 : f32
    %mul3A_1104 = vector.broadcast %mul3A_1103 : f32 to vector<16xf32>
    %mul3A_1105 = arith.mulf %mul3A_1104, %select_n3A_1033 : vector<16xf32>
    %mul3A_1106 = arith.mulf %sub3A_1097, %sub3A_1097 : vector<16xf32>
    %mul3A_1107 = arith.mulf %sub3A_1102, %sub3A_1102 : vector<16xf32>
    %add3A_1108 = arith.addf %mul3A_1106, %mul3A_1107 : vector<16xf32>
    %mul3A_1109 = arith.mulf %mul3A_1105, %add3A_1108 : vector<16xf32>
    %add3A_1110 = arith.addf %add3A_1092, %mul3A_1109 : vector<16xf32>
    %get3A_1111 = arith.constant 48 : index
    %get3A_1112 = tpu.vector_load %arg8[%get3A_1111] {strides = array<i32>} : memref<64xi32, #tpu.memory_space<vmem>>, vector<16xi32>,
    %gather3A_1113 = tpu.vector_load_idx %arg9[%get3A_1112] : memref<65536xi32, #tpu.memory_space<vmem>>[vector<16xi32>], vector<16xi32>,
    %add3A_1114 = arith.constant 48 : i32
    %add3A_1115 = arith.addi %mul3A_0, %add3A_1114 : i32
    %add3A_1116 = vector.broadcast %add3A_1115 : i32 to vector<16xi32>
    %add3A_1117 = arith.addi %add3A_1116, %iota3A : vector<16xi32>
    %eq3A_1118 = arith.cmpi eq, %gather3A_1113, %add3A_1117 : vector<16xi32>
    %get3A_1119 = arith.constant 48 : index
    %get3A_1120 = tpu.vector_load %arg7[%get3A_1119] {strides = array<i32>} : memref<64xi32, #tpu.memory_space<vmem>>, vector<16xi32>,
    %and3A_1121 = arith.constant 255 : i32
    %and3A_1122 = vector.broadcast %and3A_1121 : i32 to vector<16xi32>
    %and3A_1123 = arith.andi %get3A_1120, %and3A_1122 : vector<16xi32>
    %shift_right_arithmetic3A_1124 = arith.constant 8 : i32
    %shift_right_arithmetic3A_1125 = vector.broadcast %shift_right_arithmetic3A_1124 : i32 to vector<16xi32>
    %shift_right_arithmetic3A_1126 = arith.shrsi %get3A_1120, %shift_right_arithmetic3A_1125 : vector<16xi32>
    %and3A_1127 = arith.constant 255 : i32
    %and3A_1128 = vector.broadcast %and3A_1127 : i32 to vector<16xi32>
    %and3A_1129 = arith.andi %shift_right_arithmetic3A_1126, %and3A_1128 : vector<16xi32>
    %shift_right_arithmetic3A_1130 = arith.constant 16 : i32
    %shift_right_arithmetic3A_1131 = vector.broadcast %shift_right_arithmetic3A_1130 : i32 to vector<16xi32>
    %shift_right_arithmetic3A_1132 = arith.shrsi %get3A_1120, %shift_right_arithmetic3A_1131 : vector<16xi32>
    %and3A_1133 = arith.constant 255 : i32
    %and3A_1134 = vector.broadcast %and3A_1133 : i32 to vector<16xi32>
    %and3A_1135 = arith.andi %shift_right_arithmetic3A_1132, %and3A_1134 : vector<16xi32>
    %shift_right_arithmetic3A_1136 = arith.constant 24 : i32
    %shift_right_arithmetic3A_1137 = vector.broadcast %shift_right_arithmetic3A_1136 : i32 to vector<16xi32>
    %shift_right_arithmetic3A_1138 = arith.shrsi %get3A_1120, %shift_right_arithmetic3A_1137 : vector<16xi32>
    %and3A_1139 = arith.constant 255 : i32
    %and3A_1140 = vector.broadcast %and3A_1139 : i32 to vector<16xi32>
    %and3A_1141 = arith.andi %shift_right_arithmetic3A_1138, %and3A_1140 : vector<16xi32>
    %ne3A_1142 = arith.cmpi ne, %and3A_1135, %and3A_1123 : vector<16xi32>
    %ne3A_1143 = arith.cmpi ne, %and3A_1141, %and3A_1129 : vector<16xi32>
    %or3A_1144 = arith.ori %ne3A_1142, %ne3A_1143 : vector<16xi1>
    %and3A_1145 = arith.andi %eq3A_1118, %or3A_1144 : vector<16xi1>
    %jit3A_1146 = arith.constant 1.000000e+00 : f32
    %jit3A_1147 = arith.constant 0.000000e+00 : f32
    %broadcast_in_dim3A_1148 = vector.broadcast %jit3A_1146 : f32 to vector<16xf32>
    %broadcast_in_dim3A_1149 = vector.broadcast %jit3A_1147 : f32 to vector<16xf32>
    %select_n3A_1150 = arith.select %and3A_1145, %broadcast_in_dim3A_1148, %broadcast_in_dim3A_1149 : vector<16xi1>, vector<16xf32>
    %add3A_1151 = arith.addf %add3A_1034, %select_n3A_1150 : vector<16xf32>
    %sub3A_1152 = arith.subi %and3A_1135, %and3A_1123 : vector<16xi32>
    %convert_element_type3A_1153 = arith.sitofp %sub3A_1152 : vector<16xi32> to vector<16xf32>
    %sub3A_1154 = arith.subi %and3A_1141, %and3A_1129 : vector<16xi32>
    %convert_element_type3A_1155 = arith.sitofp %sub3A_1154 : vector<16xi32> to vector<16xf32>
    %get3A_1156 = arith.constant 0 : i32
    %get3A_1157 = arith.index_cast %get3A_1156 : i32 to index
    %get3A_1158 = arith.constant 48 : index
    %get3A_1159 = tpu.vector_load %arg11[%get3A_1157, %get3A_1158] {strides = array<i32>} : memref<4x128xf32, #tpu.memory_space<vmem>>, vector<16xf32>,
    %sub3A_1160 = arith.subf %get3A_1159, %convert_element_type3A_1153 : vector<16xf32>
    %get3A_1161 = arith.constant 0 : i32
    %get3A_1162 = arith.index_cast %get3A_1161 : i32 to index
    %get3A_1163 = arith.constant 112 : index
    %get3A_1164 = tpu.vector_load %arg11[%get3A_1162, %get3A_1163] {strides = array<i32>} : memref<4x128xf32, #tpu.memory_space<vmem>>, vector<16xf32>,
    %sub3A_1165 = arith.subf %get3A_1164, %convert_element_type3A_1155 : vector<16xf32>
    %mul3A_1166 = arith.constant 5.120000e-01 : f32
    %mul3A_1167 = vector.broadcast %mul3A_1166 : f32 to vector<16xf32>
    %mul3A_1168 = arith.mulf %mul3A_1167, %select_n3A_1150 : vector<16xf32>
    %mul3A_1169 = arith.mulf %sub3A_1160, %sub3A_1160 : vector<16xf32>
    %mul3A_1170 = arith.mulf %sub3A_1165, %sub3A_1165 : vector<16xf32>
    %add3A_1171 = arith.addf %mul3A_1169, %mul3A_1170 : vector<16xf32>
    %mul3A_1172 = arith.mulf %mul3A_1168, %add3A_1171 : vector<16xf32>
    %add3A_1173 = arith.addf %add3A_1110, %mul3A_1172 : vector<16xf32>
    %get3A_1174 = arith.constant 1 : i32
    %get3A_1175 = arith.index_cast %get3A_1174 : i32 to index
    %get3A_1176 = arith.constant 48 : index
    %get3A_1177 = tpu.vector_load %arg11[%get3A_1175, %get3A_1176] {strides = array<i32>} : memref<4x128xf32, #tpu.memory_space<vmem>>, vector<16xf32>,
    %sub3A_1178 = arith.subf %get3A_1177, %convert_element_type3A_1153 : vector<16xf32>
    %get3A_1179 = arith.constant 1 : i32
    %get3A_1180 = arith.index_cast %get3A_1179 : i32 to index
    %get3A_1181 = arith.constant 112 : index
    %get3A_1182 = tpu.vector_load %arg11[%get3A_1180, %get3A_1181] {strides = array<i32>} : memref<4x128xf32, #tpu.memory_space<vmem>>, vector<16xf32>,
    %sub3A_1183 = arith.subf %get3A_1182, %convert_element_type3A_1155 : vector<16xf32>
    %mul3A_1184 = arith.constant 6.400000e-01 : f32
    %mul3A_1185 = vector.broadcast %mul3A_1184 : f32 to vector<16xf32>
    %mul3A_1186 = arith.mulf %mul3A_1185, %select_n3A_1150 : vector<16xf32>
    %mul3A_1187 = arith.mulf %sub3A_1178, %sub3A_1178 : vector<16xf32>
    %mul3A_1188 = arith.mulf %sub3A_1183, %sub3A_1183 : vector<16xf32>
    %add3A_1189 = arith.addf %mul3A_1187, %mul3A_1188 : vector<16xf32>
    %mul3A_1190 = arith.mulf %mul3A_1186, %add3A_1189 : vector<16xf32>
    %add3A_1191 = arith.addf %add3A_1173, %mul3A_1190 : vector<16xf32>
    %get3A_1192 = arith.constant 2 : i32
    %get3A_1193 = arith.index_cast %get3A_1192 : i32 to index
    %get3A_1194 = arith.constant 48 : index
    %get3A_1195 = tpu.vector_load %arg11[%get3A_1193, %get3A_1194] {strides = array<i32>} : memref<4x128xf32, #tpu.memory_space<vmem>>, vector<16xf32>,
    %sub3A_1196 = arith.subf %get3A_1195, %convert_element_type3A_1153 : vector<16xf32>
    %get3A_1197 = arith.constant 2 : i32
    %get3A_1198 = arith.index_cast %get3A_1197 : i32 to index
    %get3A_1199 = arith.constant 112 : index
    %get3A_1200 = tpu.vector_load %arg11[%get3A_1198, %get3A_1199] {strides = array<i32>} : memref<4x128xf32, #tpu.memory_space<vmem>>, vector<16xf32>,
    %sub3A_1201 = arith.subf %get3A_1200, %convert_element_type3A_1155 : vector<16xf32>
    %mul3A_1202 = arith.constant 8.000000e-01 : f32
    %mul3A_1203 = vector.broadcast %mul3A_1202 : f32 to vector<16xf32>
    %mul3A_1204 = arith.mulf %mul3A_1203, %select_n3A_1150 : vector<16xf32>
    %mul3A_1205 = arith.mulf %sub3A_1196, %sub3A_1196 : vector<16xf32>
    %mul3A_1206 = arith.mulf %sub3A_1201, %sub3A_1201 : vector<16xf32>
    %add3A_1207 = arith.addf %mul3A_1205, %mul3A_1206 : vector<16xf32>
    %mul3A_1208 = arith.mulf %mul3A_1204, %add3A_1207 : vector<16xf32>
    %add3A_1209 = arith.addf %add3A_1191, %mul3A_1208 : vector<16xf32>
    %get3A_1210 = arith.constant 3 : i32
    %get3A_1211 = arith.index_cast %get3A_1210 : i32 to index
    %get3A_1212 = arith.constant 48 : index
    %get3A_1213 = tpu.vector_load %arg11[%get3A_1211, %get3A_1212] {strides = array<i32>} : memref<4x128xf32, #tpu.memory_space<vmem>>, vector<16xf32>,
    %sub3A_1214 = arith.subf %get3A_1213, %convert_element_type3A_1153 : vector<16xf32>
    %get3A_1215 = arith.constant 3 : i32
    %get3A_1216 = arith.index_cast %get3A_1215 : i32 to index
    %get3A_1217 = arith.constant 112 : index
    %get3A_1218 = tpu.vector_load %arg11[%get3A_1216, %get3A_1217] {strides = array<i32>} : memref<4x128xf32, #tpu.memory_space<vmem>>, vector<16xf32>,
    %sub3A_1219 = arith.subf %get3A_1218, %convert_element_type3A_1155 : vector<16xf32>
    %mul3A_1220 = arith.constant 1.000000e+00 : f32
    %mul3A_1221 = vector.broadcast %mul3A_1220 : f32 to vector<16xf32>
    %mul3A_1222 = arith.mulf %mul3A_1221, %select_n3A_1150 : vector<16xf32>
    %mul3A_1223 = arith.mulf %sub3A_1214, %sub3A_1214 : vector<16xf32>
    %mul3A_1224 = arith.mulf %sub3A_1219, %sub3A_1219 : vector<16xf32>
    %add3A_1225 = arith.addf %mul3A_1223, %mul3A_1224 : vector<16xf32>
    %mul3A_1226 = arith.mulf %mul3A_1222, %add3A_1225 : vector<16xf32>
    %add3A_1227 = arith.addf %add3A_1209, %mul3A_1226 : vector<16xf32>
    %reduce_sum3A = arith.constant true
    %reduce_sum3A_1228 = vector.broadcast %reduce_sum3A : i1 to vector<16xi1>
    %reduce_sum3A_1229 = tpu.scan <sum>, %add3A_1227 masked %reduce_sum3A_1228 : vector<16xf32>, vector<16xi1> -> vector<16xf32>
    %reduce_sum3A_1230 = vector.extract %reduce_sum3A_1229[15] : f32 from vector<16xf32>
    %reduce_sum3A_1231 = arith.constant true
    %reduce_sum3A_1232 = vector.broadcast %reduce_sum3A_1231 : i1 to vector<16xi1>
    %reduce_sum3A_1233 = tpu.scan <sum>, %add3A_1151 masked %reduce_sum3A_1232 : vector<16xf32>, vector<16xi1> -> vector<16xf32>
    %reduce_sum3A_1234 = vector.extract %reduce_sum3A_1233[15] : f32 from vector<16xf32>
    %eq3A_1235 = arith.constant 0 : i32
    %eq3A_1236 = vector.broadcast %eq3A_1235 : i32 to vector<16xi32>
    %eq3A_1237 = arith.cmpi eq, %iota3A, %eq3A_1236 : vector<16xi32>
    %eq3A_1238 = arith.constant 1 : i32
    %eq3A_1239 = vector.broadcast %eq3A_1238 : i32 to vector<16xi32>
    %eq3A_1240 = arith.cmpi eq, %iota3A, %eq3A_1239 : vector<16xi32>
    %jit3A_1241 = arith.constant 0.000000e+00 : f32
    %broadcast_in_dim3A_1242 = vector.broadcast %reduce_sum3A_1234 : f32 to vector<16xf32>
    %broadcast_in_dim3A_1243 = vector.broadcast %jit3A_1241 : f32 to vector<16xf32>
    %select_n3A_1244 = arith.select %eq3A_1240, %broadcast_in_dim3A_1242, %broadcast_in_dim3A_1243 : vector<16xi1>, vector<16xf32>
    %broadcast_in_dim3A_1245 = vector.broadcast %reduce_sum3A_1230 : f32 to vector<16xf32>
    %select_n3A_1246 = arith.select %eq3A_1237, %broadcast_in_dim3A_1245, %select_n3A_1244 : vector<16xi1>, vector<16xf32>
    %swap3A_1247 = arith.constant 0 : index
    %swap3A_1248 = tpu.vector_load %arg12[%swap3A_1247] {strides = array<i32>} : memref<16xf32, #tpu.memory_space<vmem>>, vector<16xf32>,
    tpu.vector_store %arg12[%swap3A_1247], %select_n3A_1246 {strides = array<i32>} : memref<16xf32, #tpu.memory_space<vmem>>, vector<16xf32>,
    "tpu.region"() ({
      %run_scoped3A = tpu.sem_alloc : memref<!tpu.dma_semaphore, #tpu.memory_space<semaphore_mem>>
      %dma_start3A_1249 = arith.constant 0 : i32
      %dma_start3A_1250 = tpu.memref_slice %arg4[%arg0, %arg1, %dma_start3A_1249] : memref<2x16x16xf32, #tpu.memory_space<hbm>> -> memref<1x1x16xf32, #tpu.memory_space<hbm>>
      %dma_start3A_1251 = tpu.memref_squeeze %dma_start3A_1250 : memref<1x1x16xf32, #tpu.memory_space<hbm>> -> memref<16xf32, #tpu.memory_space<hbm>>
      %dma_start3A_1252 = arith.constant 0 : i32
      %dma_start3A_1253 = tpu.memref_slice %arg4[%arg0, %arg1, %dma_start3A_1252] : memref<2x16x16xf32, #tpu.memory_space<hbm>> -> memref<1x1x16xf32, #tpu.memory_space<hbm>>
      %dma_start3A_1254 = tpu.memref_squeeze %dma_start3A_1253 : memref<1x1x16xf32, #tpu.memory_space<hbm>> -> memref<16xf32, #tpu.memory_space<hbm>>
      tpu.enqueue_dma source(%arg12 : memref<16xf32, #tpu.memory_space<vmem>>) target(%dma_start3A_1254 : memref<16xf32, #tpu.memory_space<hbm>>) target_semaphore(%run_scoped3A : memref<!tpu.dma_semaphore, #tpu.memory_space<semaphore_mem>>)
      %dma_wait3A_1255 = arith.constant 0 : i32
      %dma_wait3A_1256 = tpu.memref_slice %arg4[%arg0, %arg1, %dma_wait3A_1255] : memref<2x16x16xf32, #tpu.memory_space<hbm>> -> memref<1x1x16xf32, #tpu.memory_space<hbm>>
      %dma_wait3A_1257 = tpu.memref_squeeze %dma_wait3A_1256 : memref<1x1x16xf32, #tpu.memory_space<hbm>> -> memref<16xf32, #tpu.memory_space<hbm>>
      %dma_wait3A_1258 = arith.constant 0 : i32
      %dma_wait3A_1259 = tpu.memref_slice %arg4[%arg0, %arg1, %dma_wait3A_1258] : memref<2x16x16xf32, #tpu.memory_space<hbm>> -> memref<1x1x16xf32, #tpu.memory_space<hbm>>
      %dma_wait3A_1260 = tpu.memref_squeeze %dma_wait3A_1259 : memref<1x1x16xf32, #tpu.memory_space<hbm>> -> memref<16xf32, #tpu.memory_space<hbm>>
      tpu.wait_dma2 semaphore(%run_scoped3A : memref<!tpu.dma_semaphore, #tpu.memory_space<semaphore_mem>>) src(%arg12 : memref<16xf32, #tpu.memory_space<vmem>>) dst(%dma_wait3A_1260 : memref<16xf32, #tpu.memory_space<hbm>>)
      tpu.yield
    }) : () -> ()
    return
  }
}

</mosaic_0001>

<sc_bundles>
// kernel: kernel.3.cloned.1.call-start
scs
__scs_entry_jumppad:
0x0: {  	(pc) =	sbr.rel $0x88, $3  }
0x1: {  	(tag) =	ssettag $0x0;
	lr =	simm.s32 $0x1  }
0x2: {  	[smem:$0x3F9F] =	sst lr;
	_ =	strace $0xD0000000  }
0x3: {  	_ = 	snop  }
0x4: {  	_ = 	snop  }
0x5: {  	_ = 	snop  }
0x6: {  	_ = 	snop  }
0x7: {  	_ = 	snop  }
__scs_overlays_trampoline_lowered:
0x8: {  	[smem:$0x3FAE] =	sst s0  }
0x9: {  	[smem:$0x3FAF] =	sst s1  }
0xa: {  	[smem:$0x3FB0] =	sst s2  }
0xb: {  	[smem:$0x3FB1] =	sst s3  }
0xc: {  	[smem:$0x3FB2] =	sst s4  }
0xd: {  	[smem:$0x3FB3] =	sst s5  }
0xe: {  	[smem:$0x3FB4] =	sst s6  }
0xf: {  	[smem:$0x3FB5] =	sst s7  }
0x10: {  	[smem:$0x3FB6] =	sst s8  }
0x11: {  	[smem:$0x3FB7] =	sst s9;
	s0 =	simm.s32 @!p0 $0x0  }
0x12: {  	s1 =	sld [smem:$0x3F9D];
	s0 =	simm.s32 @p0 $0x1  }
0x13: {  	[smem:$0x3FB8] =	sst s0;
	s0 =	simm.s32 @!p1 $0x0  }
0x14: {  	s2 =	sld [smem:$0x3F9C];
	s0 =	simm.s32 @p1 $0x1  }
0x15: {  	[smem:$0x3FB9] =	sst s0;
	s0 =	simm.s32 @!p2 $0x0  }
0x16: {  	s3 =	sld [smem:$0x3FDB];
	s0 =	simm.s32 @p2 $0x1  }
0x17: {  	s4 =	simm.s32 $0x1BF5;
	[smem:$0x3FBB] =	sst s0  }
0x18: {  	s0 =	sld [smem:$0x3F9E];
	_ =	swait.ge [sflag:s4], $0x0  }
0x19: {  	s7 =	sld [smem:$0x3F9F]  }
0x1a: {  	s8 =	sadd.s32 $0xFFFFE003, lr  }
0x1b: {  	s9 =	sadd.s32 $0xFFFFFEF7, lr;
	s5 =	simm.s32 $0xFFFFFFFF;
	p2 =	slt.u32 s8, $0xFFFFF086  }
0x1c: {  	p1 =	slt.u32 s9, $0xF7A;
	s5 =	simm.s32 @!p2 $0x0  }
0x1d: {  	s5 =	simm.s32 @p1 $0x1;
	p0 =	seq.s32 s7, s2  }
0x1e: {  	s7 =	smul.u32 @!p0 $0xF7A, s2;
	p2 =	seq.s32 @!p0 s5, $0x0  }
0x1f: {  	s9 =	smul.u32 $0xF7A, s1;
	s8 =	simm.s32 @!p0 $0x1BF5;
	p2 =	por !p2, p0  }
0x20: {  	[sflag:s8] =	ssyncset.s32 @!p0 $0xFFFFF086;
	s6 =	sadd.s32 @!p0 s3, s7;
	s7 =	simm.s32 @!p0 $0x108  }
0x21: {  	s3 =	sadd.s32 s3, s9;
	s6 =	sadd.s32 @!p0 $0x88, s6;
	s7 =	simm.s32 @p2 $0x1082  }
0x22: {  	[simem:s7], [sflag:s8] =	dma.local @!p0 [hbm:s6], $0xF7A  }
0x23: {  	s9 =	sor.u32 $0xD0000000, s2;
	s6 =	simm.s32 $0x108;
	_ =	swait.ge @!p0 [sflag:s8], $0x0  }
0x24: {  	s3 =	sadd.s32 $0x88, s3;
	s6 =	simm.s32 @!p1 $0x1082;
	[sflag:s4] =	ssyncset.s32 $0xFFFFF086  }
0x25: {  	[simem:s6], [sflag:s4] =	dma.local [hbm:s3], $0xF7A  }
0x26: {  	[smem:$0x3F9F] =	sst s1;
	(tag) =	ssettag s2;
	_ =	strace s9  }
0x27: {  	s1 =	sld [smem:$0x3FAF]  }
0x28: {  	s2 =	sld [smem:$0x3FB0]  }
0x29: {  	s4 =	sld [smem:$0x3FB2]  }
0x2a: {  	p0 =	seq.s32 s5, $0x0;
	s5 =	sld [smem:$0x3FB3]  }
0x2b: {  	s6 =	sld [smem:$0x3FB4]  }
0x2c: {  	s7 =	sld [smem:$0x3FB5]  }
0x2d: {  	s3 =	simm.s32 $0x108;
	s8 =	sld [smem:$0x3FB6]  }
0x2e: {  	s3 =	simm.s32 @!p0 $0x1082;
	s9 =	sld [smem:$0x3FB7]  }
0x2f: {  	lr =	sadd.s32 s0, s3;
	s0 =	sld [smem:$0x3FAE]  }
0x30: {  	s3 =	sld [smem:$0x3FB1]  }
0x31: {  	[smem:$0x3FBA] =	sst s10  }
0x32: {  	s10 =	sld [smem:$0x3FB8];
	_ =	sdelay $0x3  }
0x33: {  	p0 =	seq.s32 s10, $0x1;
	s10 =	sld [smem:$0x3FBA];
	_ =	sdelay $0x3  }
0x34: {  	[smem:$0x3FBA] =	sst s10  }
0x35: {  	s10 =	sld [smem:$0x3FB9];
	_ =	sdelay $0x3  }
0x36: {  	p1 =	seq.s32 s10, $0x1;
	s10 =	sld [smem:$0x3FBA];
	_ =	sdelay $0x3  }
0x37: {  	[smem:$0x3FBA] =	sst s10  }
0x38: {  	s10 =	sld [smem:$0x3FBB]  }
0x39: {  	_ = 	snop;
	(pc) =	sbr.ind lr, $3  }
0x3a: {  	_ = 	snop  }
0x3b: {  	_ = 	snop  }
0x3c: {  	p2 =	seq.s32 s10, $0x1;
	s10 =	sld [smem:$0x3FBA]  }
0x3d: {  	_ =	shalt  }
0x3e: {  	_ =	shalt  }
0x3f: {  	_ =	shalt  }
0x40: {  	_ =	shalt  }
0x41: {  	_ =	shalt  }
0x42: {  	_ =	shalt  }
0x43: {  	_ =	shalt  }
0x44: {  	_ =	shalt  }
0x45: {  	_ =	shalt  }
0x46: {  	_ =	shalt  }
0x47: {  	_ =	shalt  }
0x48: {  	_ =	shalt  }
0x49: {  	_ =	shalt  }
0x4a: {  	_ =	shalt  }
0x4b: {  	_ =	shalt  }
0x4c: {  	_ =	shalt  }
0x4d: {  	_ =	shalt  }
0x4e: {  	_ =	shalt  }
0x4f: {  	_ =	shalt  }
0x50: {  	_ =	shalt  }
0x51: {  	_ =	shalt  }
0x52: {  	_ =	shalt  }
0x53: {  	_ =	shalt  }
0x54: {  	_ =	shalt  }
0x55: {  	_ =	shalt  }
0x56: {  	_ =	shalt  }
0x57: {  	_ =	shalt  }
0x58: {  	_ =	shalt  }
0x59: {  	_ =	shalt  }
0x5a: {  	_ =	shalt  }
0x5b: {  	_ =	shalt  }
0x5c: {  	_ =	shalt  }
0x5d: {  	_ =	shalt  }
0x5e: {  	_ =	shalt  }
0x5f: {  	_ =	shalt  }
0x60: {  	_ =	shalt  }
0x61: {  	_ =	shalt  }
0x62: {  	_ =	shalt  }
0x63: {  	_ =	shalt  }
0x64: {  	_ =	shalt  }
0x65: {  	_ =	shalt  }
0x66: {  	_ =	shalt  }
0x67: {  	_ =	shalt  }
0x68: {  	_ =	shalt  }
0x69: {  	_ =	shalt  }
0x6a: {  	_ =	shalt  }
0x6b: {  	_ =	shalt  }
0x6c: {  	_ =	shalt  }
0x6d: {  	_ =	shalt  }
0x6e: {  	_ =	shalt  }
0x6f: {  	_ =	shalt  }
0x70: {  	_ =	shalt  }
0x71: {  	_ =	shalt  }
0x72: {  	_ =	shalt  }
0x73: {  	_ =	shalt  }
0x74: {  	_ =	shalt  }
0x75: {  	_ =	shalt  }
0x76: {  	_ =	shalt  }
0x77: {  	_ =	shalt  }
0x78: {  	_ =	shalt  }
0x79: {  	_ =	shalt  }
0x7a: {  	_ =	shalt  }
0x7b: {  	_ =	shalt  }
0x7c: {  	_ =	shalt  }
0x7d: {  	_ =	shalt  }
0x7e: {  	_ =	shalt  }
0x7f: {  	_ =	shalt  }
0x80: {  	_ =	shalt  }
0x81: {  	_ =	shalt  }
0x82: {  	_ =	shalt  }
0x83: {  	_ =	shalt  }
0x84: {  	_ =	shalt  }
0x85: {  	_ =	shalt  }
0x86: {  	_ =	shalt  }
0x87: {  	_ =	shalt  }
.Lfunc_end0:
.L_simem_size_0:
called_computation_lowered:
.L_overlay_start_0:
0x88: {  	s2 =	sld [smem:$0x3FD9]  }
0x89: {  	s3 =	sld [smem:$0x3FFE];
	_ =	sdelay $0x1  }
0x8a: {  	s1 =	srdreg.scid  }
0x8b: {  	s0 =	sand.u32 $0x1, s1  }
0x8c: {  	s17 =	sshll.u32 s0, $0xA;
	s2 =	sadd.s32 s3, s2  }
0x8d: {  	s2 =	sadd.s32 s2, s17  }
0x8e: {  	[smem:$0x3FC6] =	sst s2  }
0x8f: {  	_ = 	snop  }
0x90: {  	s2 =	sld [smem:$0x3FC9];
	(tm) =	ssettm $0x1  }
0x91: {  	s18 =	sld [smem:$0x3FFB];
	_ =	sdelay $0x3  }
0x92: {  	_ =	strace s18  }
0x93: {  	s3 =	sld [smem:$0x3FFC];
	_ =	sdelay $0x3  }
0x94: {  	_ =	strace s3  }
0x95: {  	s3 =	sld [smem:$0x3FFD];
	_ =	sdelay $0x3  }
0x96: {  	_ =	strace s3  }
0x97: {  	_ =	strace $0x8FFFFFFF  }
0x98: {  	s19 =	sld [smem:$0x3FDB];
	_ =	sdelay $0x1  }
0x99: {  	s4 =	simm.s32 $_scs_section_size  }
0x9a: {  	s5 =	simm.s32 $_size__tile_overlayer_lowered;
	s6 =	simm.s32 $_tile_overlayer_lowered  }
0x9b: {  	s22 =	simm.s32 $0x1BFF;
	s21 =	sshll.u32 s6, $0x1;
	s3 =	sadd.s32 s4, s19  }
0x9c: {  	s7 =	simm.s32 $0x0;
	s20 =	sshll.u32 s5, $0x1;
	s5 =	sadd.s32 s21, s3  }
0x9d: {  	[timem:s7], [sflag:s22] =	dma.local [hbm:s5], s20  }
0x9e: {  	_ =	swait.ge [sflag:s22], s20  }
0x9f: {  	s4 =	ssub.s32 $0x0, s20;
	[sflag:s22] =	ssyncset.done $0x0  }
0xa0: {  	[sflag:s22] =	ssyncadd.s32 s4;
	_ =	sdelay $0x1  }
0xa1: {  	s23 =	simm.s32 $0x1B8B  }
0xa2: {  	_ =	swait.ge [sflag:s23], $0x1  }
0xa3: {  	[sflag:s23] =	ssyncset.done $0x0  }
0xa4: {  	s25 =	simm.s32 $0x1B8E;
	s24 =	sld [smem:$0x3FFE];
	[sflag:s23] =	ssyncadd.s32 $0xFFFFFFFF  }
0xa5: {  	s26 =	simm.s32 $execute0_lowered;
	[smem:$0x3FD2] =	sst s25  }
0xa6: {  	s5 =	sshll.u32 s26, $0x1;
	_ =	strace $0x80000046;
	[dreg:$0x1] =	wrdreg $0xFFFFFFFF  }
0xa7: {  	s28 =	simm.s32 $_size_execute0_lowered;
	s3 =	sadd.s32 s3, s5;
	[dreg:$0x0] =	wrdreg $0x0  }
0xa8: {  	s5 =	sshll.u32 s28, $0x1;
	[dreg:$0x2] =	wrdreg s3  }
0xa9: {  	[dreg:$0x3] =	wrdreg s5  }
0xaa: {  	[dreg:$0x4] =	wrdreg $0xC0  }
0xab: {  	_ =	task [dreg:s7], $0x5FFFF  }
0xac: {  	[dreg:$0x1] =	wrdreg $0xFFFFFFFF  }
0xad: {  	[dreg:$0x0] =	wrdreg $0x60  }
0xae: {  	[dreg:$0x2] =	wrdreg s24  }
0xaf: {  	[dreg:$0x3] =	wrdreg s2  }
0xb0: {  	[dreg:$0x4] =	wrdreg $0x9  }
0xb1: {  	_ =	task.clear_ibuf [dreg:s7], $0x5FFFF;
	_ =	strace $0x90000046  }
0xb2: {  	s29 =	simm.s32 $0x9;
	_ =	strace $0x80000048  }
0xb3: {  	_ =	swait.ge [sflag:s29], $0x1  }
0xb4: {  	[sflag:s29] =	ssyncadd.s32 $0xFFFFFFFF  }
0xb5: {  	_ =	strace $0x90000048  }
0xb6: {  	_ =	sfence  }
0xb7: {  	s30 =	sld [smem:$0x0];
	_ =	sdelay $0x2  }
0xb8: {  	s31 =	sshll.u32 s1, $0xD;
	s1 =	sshrl.u32 s1, $0x2  }
0xb9: {  	s3 =	sand.u32 $0x4000, s31;
	s1 =	sadd.s32 s1, s30  }
0xba: {  	s0 =	sor.u32 s3, s0;
	s1 =	sshll.u32 s1, $0x11  }
0xbb: {  	s0 =	sor.u32 s1, s0  }
0xbc: {  	s0 =	sadd.s32 $0x8F2B, s0  }
0xbd: {  	[sflag:s0] =	ssyncadd.remote.s32 $0x1  }
0xbe: {  	_ =	sfence.sel $0xFFFF  }
0xbf: {  	[dreg:$0x0] =	wrdreg $0xFFFFFFFF;
	(pc) =	sbr.abs _section_cstart, $3  }
0xc0: {  	[dreg:$0x1] =	wrdreg $0xFFFFFFFF  }
0xc1: {  	_ =	task.clear_ibuf [dreg:s7], $0x2FFFF;
	_ =	strace $0x9FFFFFFF  }
0xc2: {  	(tm) =	ssettm $0x7FFFFFFF  }
0xc3: {  	_ =	shalt  }
tec
execute0_lowered:
.L_overlay_start_1:
0x0: {  	(tag) =	ssettag $0x1  }
0x1: {  	s4 =	rddreg [dreg:$0x0]  }
0x2: {  	s2 =	rddreg [dreg:$0x1]  }
0x3: {  	s0 =	rddreg [dreg:$0x2]  }
0x4: {  	s5 =	srdreg.scid;
	s3 =	simm.s32 $0x0;
	s1 =	stileid.u32  }
0x5: {  	s15 =	simm.s32 $0x10480;
	s16 =	simm.s32 $0x10300;
	s17 =	simm.s32 $0x10500  }
0x6: {  	s18 =	simm.s32 $0x10380;
	s19 =	simm.s32 $0x10580;
	s20 =	simm.s32 $0x1  }
0x7: {  	s21 =	simm.s32 $0x10600;
	s5 =	sand.u32 $0x1, s5;
	[smem:$0x7FF] =	sst s3  }
0x8: {  	s6 =	sshll.u32 s1, $0x7;
	s8 =	sadd.s32 $0x400, s4;
	s23 =	sshll.u32 s1, $0x4  }
0x9: {  	s24 =	sshll.u32 s1, $0x11;
	s7 =	sshll.u32 s5, $0xB;
	_ =	strace $0x80000047  }
0xa: {  	s9 =	ssub.s32 $0x2, s5;
	s10 =	sshll.u32 s5, $0x6;
	s25 =	sor.u32 $0x10000, s24  }
0xb: {  	s11 =	sor.u32 $0x200000, s24;
	s26 =	sor.u32 $0x210000, s24;
	s12 =	sor.u32 $0x400000, s24  }
0xc: {  	v7 =	vlaneseq.u32;
	v20 =	vimm.f32 $0.0e+00;
	s13 =	sor.u32 $0x410000, s24;
	s28 =	sor.u32 $0x600000, s24;
	s29 =	sor.u32 $0x610000, s24  }
0xd: {  	vm0 =	vcmask $0x704;
	vm1 =	vcmask $0x3F04;
	v13 =	vor.u32 $0x10, v7;
	s7 =	sor.u32 s7, s6;
	s22 =	sshrl.u32 s9, $0x1;
	s5 =	sor.u32 s10, s6  }
0xe: {  	v14 =	vor.u32 $0x20, v7;
	v15 =	vor.u32 $0x30, v7;
	v16 =	vor.u32 $0x40, v7;
	s30 =	sor.u32 $0x10, s10;
	s31 =	sor.u32 $0x20, s10;
	s14 =	sor.u32 $0x30, s10  }
0xf: {  	v2 =	vmov s11;
	v4 =	vmov s12;
	v9 =	vor.u32 s10, v7;
	s10 =	simm.s32 $0x200;
	s11 =	simm.s32 $0x80;
	s12 =	simm.s32 $0x10200  }
0x10: {  	v17 =	vor.u32 $0x50, v7;
	v18 =	vor.u32 $0x60, v7;
	v5 =	vmov s13;
	s13 =	simm.s32 $0x10400;
	s7 =	sshrl.u32 s7, $0x3;
	s9 =	ssub.s32 s9, s22  }
0x11: {  	v19 =	vor.u32 $0x70, v7;
	v0 =	vmov s24;
	s5 =	sshrl.u32 s5, $0x3;
	v12 =	vor.u32 s14, v7;
	s14 =	simm.s32 $0x10280;
	s7 =	sadd.s32 s7, s4  }
0x12: {  	v1 =	vmov s25;
	v3 =	vmov s26;
	v6 =	vmov s28;
	s4 =	sadd.s32 s8, s23;
	s5 =	sadd.s32 s8, s5;
	s8 =	simm.s32 $0x2  }
0x13: {  	v8 =	vmov s29;
	v10 =	vor.u32 s30, v7;
	v11 =	vor.u32 s31, v7;
	s6 =	sadd.s32 $0x600, s7;
	s7 =	smax.u32 s9, $0x1;
	s9 =	simm.s32 $0x100  }
.LBB2_1:
0x14: {  	[tilespmem:s3], [sflag:$0x2] =	stream.linear.gather [hbm4b:s4+s3], $0x80, $0x38;
	[tilespmem:$0x10680] =	vst v63  }
0x15: {  	_ =	swait.ge [sflag:s8], $0x80  }
0x16: {  	[sflag:s8] =	ssyncset.done $0x0  }
0x17: {  	[sflag:s8] =	ssyncadd.s32 $0xFFFFFF80  }
0x18: {  	[tilespmem:s9], [sflag:$0x2] =	stream.linear.gather [hbm4b:s5+s3], $0x40, $0x38;
	[tilespmem:$0x10680] =	vst v63  }
0x19: {  	_ =	swait.ge [sflag:s8], $0x40  }
0x1a: {  	[sflag:s8] =	ssyncset.done $0x0  }
0x1b: {  	[sflag:s8] =	ssyncadd.s32 $0xFFFFFFC0  }
0x1c: {  	v21 =	vld [tilespmem:$0x0]  }
0x1d: {  	v22 =	vld [tilespmem:$0x10]  }
0x1e: {  	v23 =	vld [tilespmem:$0x20]  }
0x1f: {  	v24 =	vld [tilespmem:$0x30]  }
0x20: {  	v25 =	vld [tilespmem:$0x40]  }
0x21: {  	v26 =	vld [tilespmem:$0x50]  }
0x22: {  	v27 =	vld [tilespmem:$0x60];
	v21 =	vand.u32 $0xFFFF, v21  }
0x23: {  	v60 =	vld [tilespmem:$0x110];
	[tilespmem:$0x80] =	vst v21;
	v21 =	vand.u32 $0xFFFF, v22  }
0x24: {  	v22 =	vld [tilespmem:$0x70];
	[tilespmem:$0x90] =	vst v21;
	v21 =	vand.u32 $0xFFFF, v23  }
0x25: {  	v23 =	vld [tilespmem:$0x100];
	[tilespmem:$0xA0] =	vst v21;
	v21 =	vand.u32 $0xFFFF, v24  }
0x26: {  	v61 =	vld [tilespmem:$0x120];
	[tilespmem:$0xB0] =	vst v21;
	v21 =	vand.u32 $0xFFFF, v25  }
0x27: {  	v62 =	vld [tilespmem:$0x80];
	[tilespmem:$0xC0] =	vst v21;
	v21 =	vand.u32 $0xFFFF, v26  }
0x28: {  	v63 =	vld [tilespmem:$0x130];
	[tilespmem:$0xD0] =	vst v21;
	v21 =	vand.u32 $0xFFFF, v27  }
0x29: {  	[tilespmem:$0xE0] =	vst v21;
	v21 =	vand.u32 $0xFFFF, v22  }
0x2a: {  	[tilespmem:$0xF0] =	vst v21;
	v21 =	vand.u32 $0xFFFF, v23  }
0x2b: {  	[tilespmem:$0x180] =	vst v21;
	v21 =	vand.u32 $0xFFFF, v60  }
0x2c: {  	[tilespmem:$0x190] =	vst v21;
	v21 =	vand.u32 $0xFFFF, v61  }
0x2d: {  	[tilespmem:$0x1A0] =	vst v21;
	v21 =	vand.u32 $0xFFFF, v63  }
0x2e: {  	[tilespmem:$0x1B0] =	vst v21  }
0x2f: {  	[tilespmem:v62+s10+$0x0] =	vst.idx.msk $0xffff, v7  }
0x30: {  	v21 =	vld [tilespmem:$0x90];
	_ =	sdelay $0x7  }
0x31: {  	[tilespmem:v21+s10+$0x0] =	vst.idx.msk $0xffff, v13  }
0x32: {  	v21 =	vld [tilespmem:$0xA0];
	_ =	sdelay $0x7  }
0x33: {  	[tilespmem:v21+s10+$0x0] =	vst.idx.msk $0xffff, v14  }
0x34: {  	v21 =	vld [tilespmem:$0xB0];
	_ =	sdelay $0x7  }
0x35: {  	[tilespmem:v21+s10+$0x0] =	vst.idx.msk $0xffff, v15  }
0x36: {  	v21 =	vld [tilespmem:$0xC0];
	_ =	sdelay $0x7  }
0x37: {  	[tilespmem:v21+s10+$0x0] =	vst.idx.msk $0xffff, v16  }
0x38: {  	v21 =	vld [tilespmem:$0xD0];
	_ =	sdelay $0x7  }
0x39: {  	[tilespmem:v21+s10+$0x0] =	vst.idx.msk $0xffff, v17  }
0x3a: {  	v21 =	vld [tilespmem:$0xE0];
	_ =	sdelay $0x7  }
0x3b: {  	[tilespmem:v21+s10+$0x0] =	vst.idx.msk $0xffff, v18  }
0x3c: {  	v21 =	vld [tilespmem:$0xF0];
	_ =	sdelay $0x7  }
0x3d: {  	[tilespmem:v21+s10+$0x0] =	vst.idx.msk $0xffff, v19  }
0x3e: {  	v21 =	vld [tilespmem:$0x180];
	_ =	sdelay $0x4  }
0x3f: {  	v22 =	vshll.u32 v21, $0x3  }
0x40: {  	v23 =	vshrl.u32 v21, $0x1;
	v21 =	vand.u32 $0xFFFFF87F, v21;
	v22 =	vand.u32 $0x400, v22  }
0x41: {  	v23 =	vand.u32 $0x380, v23;
	v21 =	vor.u32 v22, v21  }
0x42: {  	v22 =	vld [tilespmem:$0x190];
	v21 =	vor.u32 v23, v21  }
0x43: {  	v23 =	vadd.s32 v0, v21  }
0x44: {  	[tilespmem:$0x10200] =	vst v23;
	v23 =	vadd.s32 v1, v21  }
0x45: {  	[tilespmem:$0x10240] =	vst v23;
	v23 =	vadd.s32 v2, v21  }
0x46: {  	[tilespmem:$0x10280] =	vst v23;
	v23 =	vadd.s32 v3, v21  }
0x47: {  	v28 =	vadd.s32 v5, v21;
	v29 =	vshll.u32 v22, $0x3;
	[tilespmem:$0x102C0] =	vst v23;
	v23 =	vadd.s32 v4, v21  }
0x48: {  	v30 =	vshrl.u32 v22, $0x1;
	v22 =	vand.u32 $0xFFFFF87F, v22;
	[tilespmem:$0x10300] =	vst v23;
	v23 =	vand.u32 $0x400, v29  }
0x49: {  	v31 =	vadd.s32 v6, v21;
	[tilespmem:$0x10340] =	vst v28;
	v25 =	vand.u32 $0x380, v30;
	v22 =	vor.u32 v23, v22  }
0x4a: {  	[tilespmem:$0x10380] =	vst v31;
	v21 =	vadd.s32 v8, v21;
	v23 =	vld [tilespmem:$0x1A0];
	v22 =	vor.u32 v25, v22  }
0x4b: {  	[tilespmem:$0x103C0] =	vst v21;
	v21 =	vadd.s32 v0, v22  }
0x4c: {  	[tilespmem:$0x10210] =	vst v21;
	v21 =	vadd.s32 v1, v22  }
0x4d: {  	[tilespmem:$0x10250] =	vst v21;
	v21 =	vadd.s32 v2, v22  }
0x4e: {  	[tilespmem:$0x10290] =	vst v21;
	v21 =	vadd.s32 v3, v22  }
0x4f: {  	v32 =	vadd.s32 v5, v22;
	v33 =	vshll.u32 v23, $0x3;
	[tilespmem:$0x102D0] =	vst v21;
	v21 =	vadd.s32 v4, v22  }
0x50: {  	v34 =	vshrl.u32 v23, $0x1;
	v23 =	vand.u32 $0xFFFFF87F, v23;
	[tilespmem:$0x10310] =	vst v21;
	v21 =	vand.u32 $0x400, v33  }
0x51: {  	v35 =	vadd.s32 v6, v22;
	[tilespmem:$0x10350] =	vst v32;
	v25 =	vand.u32 $0x380, v34;
	v21 =	vor.u32 v21, v23  }
0x52: {  	[tilespmem:$0x10390] =	vst v35;
	v22 =	vadd.s32 v8, v22;
	v23 =	vld [tilespmem:$0x1B0];
	v21 =	vor.u32 v25, v21  }
0x53: {  	[tilespmem:$0x103D0] =	vst v22;
	v22 =	vadd.s32 v0, v21  }
0x54: {  	[tilespmem:$0x10220] =	vst v22;
	v22 =	vadd.s32 v1, v21  }
0x55: {  	[tilespmem:$0x10260] =	vst v22;
	v22 =	vadd.s32 v2, v21  }
0x56: {  	[tilespmem:$0x102A0] =	vst v22;
	v22 =	vadd.s32 v3, v21  }
0x57: {  	v36 =	vadd.s32 v5, v21;
	v37 =	vshll.u32 v23, $0x3;
	[tilespmem:$0x102E0] =	vst v22;
	v22 =	vadd.s32 v4, v21  }
0x58: {  	v38 =	vshrl.u32 v23, $0x1;
	v23 =	vand.u32 $0xFFFFF87F, v23;
	[tilespmem:$0x10320] =	vst v22;
	v22 =	vand.u32 $0x400, v37  }
0x59: {  	v39 =	vadd.s32 v6, v21;
	[tilespmem:$0x10360] =	vst v36;
	v25 =	vand.u32 $0x380, v38;
	v22 =	vor.u32 v22, v23  }
0x5a: {  	[tilespmem:$0x103A0] =	vst v39;
	v21 =	vadd.s32 v8, v21;
	v22 =	vor.u32 v25, v22  }
0x5b: {  	[tilespmem:$0x103E0] =	vst v21;
	v21 =	vadd.s32 v0, v22  }
0x5c: {  	[tilespmem:$0x10230] =	vst v21;
	v21 =	vadd.s32 v1, v22  }
0x5d: {  	[tilespmem:$0x10270] =	vst v21;
	v21 =	vadd.s32 v2, v22  }
0x5e: {  	[tilespmem:$0x102B0] =	vst v21;
	v21 =	vadd.s32 v3, v22  }
0x5f: {  	[tilespmem:$0x102F0] =	vst v21;
	v21 =	vadd.s32 v4, v22  }
0x60: {  	[tilespmem:$0x10330] =	vst v21;
	v21 =	vadd.s32 v5, v22  }
0x61: {  	[tilespmem:$0x10370] =	vst v21;
	v21 =	vadd.s32 v6, v22  }
0x62: {  	[tilespmem:$0x103B0] =	vst v21;
	v21 =	vadd.s32 v8, v22  }
0x63: {  	[tilespmem:$0x103F0] =	vst v21  }
0x64: {  	[tilespmem:s13], [sflag:$0x1] =	stream.indirect.gather [hbm4b:s2+s11], $0x1, s12, s11, $0xb8;
	[tilespmem:$0x10680] =	vst v63  }
0x65: {  	_ = 	snop  }
0x66: {  	[tilespmem:s15], [sflag:$0x1] =	stream.indirect.gather [hbm4b:s2+s11], $0x1, s14, s11, $0xb8;
	[tilespmem:$0x10680] =	vst v63  }
0x67: {  	_ = 	snop  }
0x68: {  	[tilespmem:s17], [sflag:$0x1] =	stream.indirect.gather [hbm4b:s2+s11], $0x1, s16, s11, $0xb8;
	[tilespmem:$0x10680] =	vst v63  }
0x69: {  	_ = 	snop  }
0x6a: {  	[tilespmem:s19], [sflag:$0x1] =	stream.indirect.gather [hbm4b:s2+s11], $0x1, s18, s11, $0xb8;
	[tilespmem:$0x10680] =	vst v63  }
0x6b: {  	_ =	swait.ge [sflag:s20], $0x80  }
0x6c: {  	[sflag:s20] =	ssyncset.done $0x0  }
0x6d: {  	[sflag:s20] =	ssyncadd.s32 $0xFFFFFF80  }
0x6e: {  	_ =	swait.ge [sflag:s20], $0x80  }
0x6f: {  	[sflag:s20] =	ssyncset.done $0x0  }
0x70: {  	[sflag:s20] =	ssyncadd.s32 $0xFFFFFF80  }
0x71: {  	_ =	swait.ge [sflag:s20], $0x80  }
0x72: {  	[sflag:s20] =	ssyncset.done $0x0  }
0x73: {  	[sflag:s20] =	ssyncadd.s32 $0xFFFFFF80  }
0x74: {  	_ =	swait.ge [sflag:s20], $0x80  }
0x75: {  	[sflag:s20] =	ssyncset.done $0x0  }
0x76: {  	[sflag:s20] =	ssyncadd.s32 $0xFFFFFF80  }
0x77: {  	v21 =	vld [tilespmem:$0x180]  }
0x78: {  	v30 =	vld [tilespmem:$0x190];
	_ =	sdelay $0x1  }
0x79: {  	v34 =	vld [tilespmem:$0x110];
	_ =	sdelay $0x1  }
0x7a: {  	v22 =	vld [tilespmem:$0x100];
	_ =	sdelay $0x1  }
0x7b: {  	v53 =	vld [tilespmem:$0x10450]  }
0x7c: {  	v51 =	vshrl.u32 v34, $0x8;
	v21 =	vld.idx.msk [tilespmem:v21+s10+$0x0], $0xffff  }
0x7d: {  	v54 =	vshrl.u32 v34, $0x18;
	v48 =	vld.idx.msk [tilespmem:v30+s10+$0x0], $0xffff;
	v30 =	vand.u32 $0xFF, v51  }
0x7e: {  	v23 =	vld [tilespmem:$0x10400];
	v41 =	vshrl.u32 v22, $0x8;
	v35 =	vsub.s32 v54, v30  }
0x7f: {  	v40 =	vld [tilespmem:$0x10440];
	v42 =	vshrl.u32 v22, $0x10;
	v50 =	vand.u32 $0xFF, v34;
	v57 =	vcvt.s32.f32 v35  }
0x80: {  	v43 =	vld [tilespmem:$0x10480];
	v52 =	vshrl.u32 v34, $0x10;
	v25 =	vand.u32 $0xFF, v41;
	v26 =	vand.u32 $0xFF, v42  }
0x81: {  	v44 =	vld [tilespmem:$0x10500];
	v60 =	vsub.f32 v53, v57;
	vm2 =	veq.s32 v21, v9;
	v21 =	vand.u32 $0xFF, v22  }
0x82: {  	v28 =	vld [tilespmem:$0x104C0];
	v22 =	vshrl.u32 v22, $0x18;
	vm3 =	vne.s32 v26, v21;
	v21 =	vsub.s32 v26, v21  }
0x83: {  	vm4 =	vne.s32 v22, v25;
	v29 =	vcvt.s32.f32 v21;
	v21 =	vsub.s32 v22, v25;
	v22 =	vld [tilespmem:$0x10540]  }
0x84: {  	v58 =	vld [tilespmem:$0x104D0];
	vm13 =	vne.s32 v54, v30;
	v63 =	vmul.f32 v60, v60;
	vm3 =	vmor vm3, vm4  }
0x85: {  	v61 =	vld [tilespmem:$0x10550];
	vm2 =	vmand vm2, vm3;
	v25 =	vcvt.s32.f32 v21;
	v23 =	vsub.f32 v23, v29  }
0x86: {  	v21 =	vsel vm2, $0x3F800000, v20;
	v27 =	vsub.f32 v43, v29;
	v26 =	vsub.f32 v44, v29  }
0x87: {  	v24 =	vsub.f32 v40, v25;
	v31 =	vmul.f32 $5.120000240e-01, v21;
	v28 =	vsub.f32 v28, v25  }
0x88: {  	v32 =	vld [tilespmem:$0x10580];
	v23 =	vmul.f32 v23, v23;
	v27 =	vmul.f32 v27, v27;
	v22 =	vsub.f32 v22, v25  }
0x89: {  	v33 =	vld [tilespmem:$0x105C0];
	v39 =	vsub.f32 v58, v57;
	v24 =	vmul.f32 v24, v24;
	v28 =	vmul.f32 v28, v28  }
0x8a: {  	v49 =	vld [tilespmem:$0x10410];
	v30 =	vsub.f32 v61, v57;
	v26 =	vmul.f32 v26, v26;
	v22 =	vmul.f32 v22, v22  }
0x8b: {  	v36 =	vld [tilespmem:$0x10490];
	v45 =	vmul.f32 $6.399999860e-01, v21;
	v23 =	vadd.f32 v24, v23;
	v27 =	vadd.f32 v28, v27  }
0x8c: {  	v59 =	vld [tilespmem:$0x10510];
	v30 =	vmul.f32 v30, v30;
	v46 =	vmul.f32 $8.000000110e-01, v21;
	v22 =	vadd.f32 v22, v26  }
0x8d: {  	v40 =	vld [tilespmem:$0x1A0];
	v23 =	vmul.f32 v23, v31;
	v24 =	vmul.f32 v27, v45;
	v31 =	vand.u32 $0xFF, v52  }
0x8e: {  	v47 =	vsub.f32 v32, v29;
	v43 =	vld [tilespmem:$0x10590];
	v25 =	vsub.f32 v33, v25;
	v55 =	vsub.s32 v31, v50  }
0x8f: {  	v44 =	vld [tilespmem:$0x105D0];
	v22 =	vmul.f32 v22, v46;
	v23 =	vadd.f32 v24, v23;
	v56 =	vcvt.s32.f32 v55  }
0x90: {  	vm2 =	veq.s32 v48, v10;
	v25 =	vmul.f32 v25, v25;
	v26 =	vmul.f32 v47, v47  }
0x91: {  	vm3 =	vne.s32 v31, v50;
	v28 =	vsub.f32 v49, v56;
	v23 =	vadd.f32 v22, v23  }
0x92: {  	v31 =	vmul.f32 v39, v39;
	v22 =	vadd.f32 v25, v26;
	v37 =	vsub.f32 v36, v56  }
0x93: {  	vm3 =	vmor vm3, vm13;
	v46 =	vld [tilespmem:$0x120];
	v27 =	vsub.f32 v59, v56;
	v24 =	vsub.f32 v43, v56  }
0x94: {  	v49 =	vsub.f32 v44, v57;
	v62 =	vmul.f32 v28, v28;
	v38 =	vmul.f32 v22, v21  }
0x95: {  	v51 =	vld.idx.msk [tilespmem:v40+s10+$0x0], $0xffff;
	vm2 =	vmand vm2, vm3;
	v42 =	vmul.f32 v37, v37;
	v27 =	vmul.f32 v27, v27  }
0x96: {  	v22 =	vsel vm2, $0x3F800000, v20;
	v24 =	vmul.f32 v24, v24;
	v52 =	vmul.f32 v49, v49  }
0x97: {  	v41 =	vmul.f32 $5.120000240e-01, v22;
	v45 =	vmul.f32 $6.399999860e-01, v22  }
0x98: {  	v54 =	vld [tilespmem:$0x10420];
	v48 =	vmul.f32 $8.000000110e-01, v22;
	v53 =	vshrl.u32 v46, $0x10;
	v55 =	vand.u32 $0xFF, v46  }
0x99: {  	v39 =	vld [tilespmem:$0x10560];
	v56 =	vshrl.u32 v46, $0x8;
	v25 =	vadd.f32 v63, v62;
	v23 =	vadd.f32 v38, v23  }
0x9a: {  	v57 =	vld [tilespmem:$0x10460];
	vm14 =	veq.s32 v51, v11;
	v26 =	vadd.f32 v31, v42;
	v27 =	vadd.f32 v30, v27  }
0x9b: {  	v59 =	vld [tilespmem:$0x104A0];
	v28 =	vand.u32 $0xFF, v53;
	v32 =	vand.u32 $0xFF, v56;
	v31 =	vshrl.u32 v46, $0x18  }
0x9c: {  	v49 =	vld [tilespmem:$0x130];
	v24 =	vadd.f32 v52, v24;
	v58 =	vsub.s32 v28, v55;
	v61 =	vsub.s32 v31, v32  }
0x9d: {  	v37 =	vld [tilespmem:$0x10520];
	vm2 =	vne.s32 v28, v55;
	v25 =	vmul.f32 v25, v41;
	v47 =	vmul.f32 v26, v45  }
0x9e: {  	vm3 =	vne.s32 v31, v32;
	v50 =	vmul.f32 v27, v48;
	v60 =	vcvt.s32.f32 v58  }
0x9f: {  	v62 =	vld [tilespmem:$0x104E0];
	v63 =	vcvt.s32.f32 v61;
	vm2 =	vmor vm2, vm3;
	v24 =	vmul.f32 v24, v22  }
0xa0: {  	vm2 =	vmand vm14, vm2;
	v23 =	vadd.f32 v25, v23;
	v34 =	vsub.f32 v54, v60  }
0xa1: {  	v45 =	vld [tilespmem:$0x105A0];
	v58 =	vshrl.u32 v49, $0x8;
	v38 =	vsub.f32 v57, v63;
	v40 =	vsub.f32 v59, v60  }
0xa2: {  	v48 =	vld [tilespmem:$0x105E0];
	v31 =	vsel vm2, $0x3F800000, v20;
	v29 =	vsub.f32 v37, v60;
	v30 =	vsub.f32 v39, v63  }
0xa3: {  	v46 =	vld [tilespmem:$0x1B0];
	v57 =	vand.u32 $0xFF, v49;
	v59 =	vshrl.u32 v49, $0x10;
	v42 =	vmul.f32 $5.120000240e-01, v31  }
0xa4: {  	v41 =	vsub.f32 v62, v63;
	v51 =	vmul.f32 $8.000000110e-01, v31;
	v26 =	vmul.f32 v34, v34  }
0xa5: {  	v62 =	vshrl.u32 v49, $0x18;
	v25 =	vmul.f32 v38, v38;
	v43 =	vmul.f32 v40, v40  }
0xa6: {  	v56 =	vld [tilespmem:$0x10430];
	v23 =	vadd.f32 v23, v47;
	v47 =	vmul.f32 $6.399999860e-01, v31;
	v29 =	vmul.f32 v29, v29  }
0xa7: {  	v37 =	vld [tilespmem:$0x104B0];
	v30 =	vmul.f32 v30, v30;
	v27 =	vsub.f32 v45, v60;
	v54 =	vsub.f32 v48, v63  }
0xa8: {  	v38 =	vld [tilespmem:$0x104F0];
	v44 =	vmul.f32 v41, v41;
	v23 =	vadd.f32 v50, v23;
	v25 =	vadd.f32 v25, v26  }
0xa9: {  	v60 =	vld [tilespmem:$0x10470];
	v52 =	vadd.f32 v30, v29;
	v29 =	vand.u32 $0xFF, v58;
	v30 =	vand.u32 $0xFF, v59  }
0xaa: {  	v45 =	vld [tilespmem:$0x10570];
	v26 =	vadd.f32 v44, v43;
	v55 =	vmul.f32 v27, v27;
	v63 =	vsub.s32 v30, v57  }
0xab: {  	v61 =	vld.idx.msk [tilespmem:v46+s10+$0x0], $0xffff;
	v40 =	vsub.s32 v62, v29;
	v23 =	vadd.f32 v24, v23;
	v24 =	vmul.f32 v25, v42  }
0xac: {  	v46 =	vld [tilespmem:$0x105B0];
	vm2 =	vne.s32 v30, v57;
	v25 =	vmul.f32 v54, v54;
	v35 =	vcvt.s32.f32 v63  }
0xad: {  	vm3 =	vne.s32 v62, v29;
	v36 =	vcvt.s32.f32 v40;
	v23 =	vadd.f32 v24, v23  }
0xae: {  	v44 =	vld [tilespmem:$0x10530];
	v53 =	vmul.f32 v52, v51;
	v41 =	vadd.f32 v25, v55;
	v42 =	vsub.f32 v56, v35  }
0xaf: {  	v50 =	vmul.f32 v26, v47;
	v43 =	vsub.f32 v60, v36;
	v48 =	vsub.f32 v37, v35  }
0xb0: {  	vm2 =	vmor vm2, vm3;
	v49 =	vsub.f32 v38, v36;
	v55 =	vsub.f32 v45, v36  }
0xb1: {  	vm15 =	veq.s32 v61, v12;
	v56 =	vsub.f32 v46, v35;
	v23 =	vadd.f32 v23, v50  }
0xb2: {  	v24 =	vmul.f32 v41, v31;
	vm2 =	vmand vm15, vm2;
	v25 =	vmul.f32 v42, v42;
	v50 =	vld [tilespmem:$0x105F0]  }
0xb3: {  	v26 =	vmul.f32 v43, v43;
	v52 =	vmul.f32 v48, v48;
	v54 =	vsub.f32 v44, v35  }
0xb4: {  	v27 =	vmul.f32 v55, v55;
	v47 =	vsel vm2, $0x3F800000, v20;
	v23 =	vadd.f32 v53, v23  }
0xb5: {  	v25 =	vadd.f32 v26, v25;
	v51 =	vmul.f32 $5.120000240e-01, v47;
	v53 =	vmul.f32 v49, v49  }
0xb6: {  	v57 =	vmul.f32 $6.399999860e-01, v47;
	v26 =	vmul.f32 v54, v54;
	v23 =	vadd.f32 v24, v23  }
0xb7: {  	v25 =	vmul.f32 v25, v51;
	v24 =	vadd.f32 v53, v52;
	v58 =	vsub.f32 v50, v36  }
0xb8: {  	v60 =	vmul.f32 v56, v56;
	v59 =	vmul.f32 $8.000000110e-01, v47;
	v26 =	vadd.f32 v27, v26  }
0xb9: {  	v23 =	vadd.f32 v25, v23;
	v24 =	vmul.f32 v24, v57;
	v61 =	vmul.f32 v58, v58;
	_ =	sdelay $0x1  }
0xba: {  	v62 =	vmul.f32 v26, v59;
	v23 =	vadd.f32 v23, v24;
	v63 =	vadd.f32 v61, v60  }
0xbb: {  	v21 =	vadd.f32 v22, v21  }
0xbc: {  	v22 =	vadd.f32 v62, v23;
	v23 =	vmul.f32 v63, v47  }
0xbd: {  	v21 =	vadd.f32 v31, v21  }
0xbe: {  	v22 =	vadd.f32 v23, v22  }
0xbf: {  	v21 =	vadd.f32 v47, v21  }
0xc0: {  	(xrf2) =	vadd.scan.msk.f32 $0xffff, v22  }
0xc1: {  	(xrf2) =	vadd.scan.msk.f32 $0xffff, v21;
	_ =	sdelay $0x8  }
0xc2: {  	v21, _, _ =	vpop (xrf2)  }
0xc3: {  	v22, _, _ =	vpop (xrf2)  }
0xc4: {  	v22 =	vbroadcast v22, $0xF  }
0xc5: {  	v21 =	vbroadcast v21, $0xF  }
0xc6: {  	v22 =	vnsel vm0, $0x0, v22  }
0xc7: {  	p0 =	sne.s32 s7, $0x1;
	v21 =	vsel vm1, v22, v21  }
.Ltmp0:
0xc8: {  	[tilespmem:$0x10600] =	vst v21;
	(pc) =	sbr.rel @p0 .LBB2_1-.Ltmp0, $4  }
0xc9: {  	[hbm4b:s6+s3] =	stream.linear.scatter [tilespmem:s21], [sflag:$0x2], $0x80, $0x38;
	[tilespmem:$0x10680] =	vst v63  }
0xca: {  	_ =	swait.ge [sflag:s8], $0x80  }
0xcb: {  	[sflag:s8] =	ssyncset.done $0x0  }
0xcc: {  	s7 =	sadd.s32 $0xFFFFFFFF, s7;
	[sflag:s8] =	ssyncadd.s32 $0xFFFFFF80  }
0xcd: {  	_ =	sfence.sel $0x180000  }
0xce: {  	[bflag:$0x0] =	sbarrier.arrive $0xFFFF  }
0xcf: {  	p0 =	sne.s32 s1, $0x0;
	_ =	strace $0x90000047  }
0xd0: {  	s0 =	sadd.s32 @!p0 $0x100000, s0;
	[bflag:$0x2] =	sbarrier.arrive $0xFFFF  }
0xd1: {  	[sflag:s0] =	ssyncadd.tile.s32 @!p0 $0x1;
	_ =	shalt  }
.Lfunc_end2:
_tile_overlayer_lowered:
.L_overlay_start_2:
0xd2: {  	(tag) =	ssettag $0x2  }
0xd3: {  	s0 =	rddreg [dreg:$0x0];
	s2 =	stileid.u32  }
0xd4: {  	s1 =	rddreg [dreg:$0x1];
	p0 =	sne.s32 s2, $0x0  }
0xd5: {  	s3 =	rddreg [dreg:$0x2];
	[bflag:$0x3] =	sbarrier.arrive $0xFFFF;
	s2 =	simm.s32 @!p0 $0x1C02  }
0xd6: {  	[timem:s3], [sflag:s2] =	dma.local @!p0 [hbm:s0], s1  }
0xd7: {  	s0 =	simm.s32 @!p0 $0x2  }
0xd8: {  	_ =	swait.ge @!p0 [sflag:s0], s1  }
0xd9: {  	s1 =	ssub.s32 @!p0 $0x0, s1;
	[sflag:s0] =	ssyncset.done @!p0 $0x0  }
0xda: {  	[sflag:s0] =	ssyncadd.s32 @!p0 s1  }
0xdb: {  	[bflag:$0x3] =	sbarrier.arrive $0xFFFF  }
0xdc: {  	_ =	shalt  }

</sc_bundles>
